<compile_context>
chip_gen: v7x
topology: tpu7x:2x2x1
jax: 0.10.2.dev20260603
libtpu: 0.0.44.dev20260713+nightly
codegen_flags: <defaults>
</compile_context>

<pallas_src>
import functools

import jax
import jax.numpy as jnp
from jax import lax
from jax.experimental import pallas as pl
from jax.experimental.pallas import tpu as pltpu
from jax.experimental.pallas import tpu_sc as plsc

D = 128
CHUNK = 128
NC = 2
NS = 16
NW = NC * NS
IDXB = 16


def _mesh():
    return plsc.VectorSubcoreMesh(core_axis_name="c", subcore_axis_name="s")


def _make_deg_kernel(n_pad, cpt, main_chunks):
    slab = n_pad // NS
    btile = main_chunks // cpt
    m1 = main_chunks - btile * cpt

    @functools.partial(
        pl.kernel,
        out_type=jax.ShapeDtypeStruct((NC * n_pad,), jnp.float32),
        mesh=_mesh(),
        scratch_types=[
            pltpu.VMEM((cpt, CHUNK), jnp.int32),
            pltpu.VMEM((CHUNK,), jnp.float32),
            pltpu.VMEM_SHARED((n_pad,), jnp.float32),
        ],
    )
    def deg_kernel(ei_hbm, tail_hbm, ones_hbm, zeros_hbm, out_hbm,
                   idx_v, ones_v, deg_sh):
        cid = lax.axis_index("c")
        sid = lax.axis_index("s")
        gid = cid * NS + sid
        pltpu.sync_copy(zeros_hbm, deg_sh.at[pl.ds(sid * slab, slab)])
        pltpu.sync_copy(ones_hbm, ones_v)

        @pl.when(gid < btile)
        def _():
            pltpu.sync_copy(ei_hbm.at[1, pl.ds(gid * cpt, cpt)], idx_v)

        @pl.when(gid == btile)
        def _():
            if m1 > 0:
                pltpu.sync_copy(ei_hbm.at[1, pl.ds(btile * cpt, m1)],
                                idx_v.at[pl.ds(0, m1)])
            pltpu.sync_copy(tail_hbm.at[1, pl.ds(0, cpt - m1)],
                            idx_v.at[pl.ds(m1, cpt - m1)])

        @pl.when(gid > btile)
        def _():
            pltpu.sync_copy(
                tail_hbm.at[1, pl.ds(gid * cpt - main_chunks, cpt)], idx_v)

        plsc.subcore_barrier()

        def body(j, carry):
            pltpu.sync_copy(ones_v, deg_sh.at[idx_v.at[j]], add=True)
            return carry

        lax.fori_loop(0, cpt, body, 0)
        plsc.subcore_barrier()
        pltpu.sync_copy(
            deg_sh.at[pl.ds(sid * slab, slab)],
            out_hbm.at[pl.ds(cid * n_pad + sid * slab, slab)],
        )

    return deg_kernel


def _make_scatter_kernel(n_pad, cpt2, main_chunks):
    slab = n_pad // NS

    @functools.partial(
        pl.kernel,
        out_type=jax.ShapeDtypeStruct((NC, n_pad, D), jnp.float32),
        mesh=_mesh(),
        scratch_types=[
            pltpu.VMEM((2, IDXB, CHUNK), jnp.int32),
            pltpu.VMEM((IDXB, CHUNK), jnp.int32),
            pltpu.VMEM((CHUNK, D), jnp.float32),
            pltpu.VMEM((CHUNK, D), jnp.float32),
            pltpu.SemaphoreType.DMA,
            pltpu.SemaphoreType.DMA,
            pltpu.VMEM_SHARED((n_pad, D), jnp.float32),
        ],
    )
    def scatter_kernel(y_hbm, ei_hbm, tail_hbm, zeros_hbm, out_hbm,
                       ridx_v, cidx_v, buf_a, buf_b, sem_a, sem_b, acc_sh):
        cid = lax.axis_index("c")
        sid = lax.axis_index("s")
        gid = cid * NS + sid
        my_start = gid * cpt2

        def load_idx_block(rc, g0, dst):
            @pl.when(g0 < main_chunks)
            def _():
                pltpu.sync_copy(ei_hbm.at[rc, pl.ds(g0, IDXB)], dst)

            @pl.when(g0 >= main_chunks)
            def _():
                pltpu.sync_copy(tail_hbm.at[rc, pl.ds(g0 - main_chunks, IDXB)],
                                dst)

        pltpu.sync_copy(zeros_hbm, acc_sh.at[pl.ds(sid * slab, slab)])
        load_idx_block(0, my_start, ridx_v.at[0])
        load_idx_block(1, my_start, cidx_v)
        plsc.subcore_barrier()

        bufs = (buf_a, buf_b)
        sems = (sem_a, sem_b)

        def ridx_at(j):
            return ridx_v.at[lax.rem(j // IDXB, 2), lax.rem(j, IDXB)]

        def gather(j, b):
            pltpu.async_copy(y_hbm.at[ridx_at(j)], bufs[b], sems[b])

        def gather_wait(j, b):
            pltpu.make_async_copy(y_hbm.at[ridx_at(j)], bufs[b], sems[b]).wait()

        gather(0, 0)
        gather(1, 1)

        def body(j2, carry):
            j = 2 * j2
            blk = j // IDXB

            @pl.when(lax.rem(j, IDXB) == 0)
            def _():
                @pl.when(j > 0)
                def _():
                    load_idx_block(1, my_start + blk * IDXB, cidx_v)

                @pl.when((blk + 1) * IDXB < cpt2)
                def _():
                    load_idx_block(0, my_start + (blk + 1) * IDXB,
                                   ridx_v.at[lax.rem(blk + 1, 2)])

            for b in (0, 1):
                jj = j + b
                gather_wait(jj, b)
                pltpu.sync_copy(
                    bufs[b], acc_sh.at[cidx_v.at[lax.rem(jj, IDXB)]], add=True)

                @pl.when(jj + 2 < cpt2)
                def _():
                    gather(jj + 2, b)

            return carry

        lax.fori_loop(0, cpt2 // 2, body, 0)
        plsc.subcore_barrier()
        pltpu.sync_copy(
            acc_sh.at[pl.ds(sid * slab, slab)],
            out_hbm.at[cid, pl.ds(sid * slab, slab)],
        )

    return scatter_kernel


def _linear_body(n_pad, x_ref, w_ref, deg_ref, y_ref, dis_ref):
    dis = lax.rsqrt(deg_ref[...] + 1.0)
    xw = jnp.dot(x_ref[...], w_ref[...], preferred_element_type=jnp.float32)
    n = x_ref.shape[0]
    y_ref[...] = jnp.pad(xw, ((0, n_pad - n), (0, 0))) * dis
    dis_ref[...] = dis


def _post_body(n, accs_ref, y_ref, dis_ref, b_ref, gamma_ref, beta_ref, out_ref):
    a = accs_ref[0] + accs_ref[1] + y_ref[...]
    pre = dis_ref[...][:n] * a[:n] + b_ref[...]
    act = jnp.where(pre >= 0, pre, 0.01 * pre)
    mean = jnp.mean(act, axis=0, keepdims=True)
    var = jnp.mean((act - mean) ** 2, axis=0, keepdims=True)
    out_ref[...] = (act - mean) * lax.rsqrt(var + 1e-5) * gamma_ref[...] + beta_ref[...]


def kernel(x, edge_index, W, b, gamma, beta):
    n = x.shape[0]
    d_out = W.shape[1]
    e = edge_index.shape[1]
    n_pad = ((n + 1) + 128 * NS - 1) // (128 * NS) * (128 * NS)
    cpt = (e + NW * CHUNK - 1) // (NW * CHUNK)
    cpt = (cpt + IDXB - 1) // IDXB * IDXB
    e_pad = NW * CHUNK * cpt

    ei = edge_index.astype(jnp.int32)
    main_chunks = e // CHUNK // IDXB * IDXB
    padn = e_pad - e
    ar = jnp.arange(padn, dtype=jnp.int32)
    row_pad = ar % n
    col_pad = n + 1 + ar % (n_pad - n - 1)
    ei3 = ei.reshape(2, -1, CHUNK) if e % CHUNK == 0 else (
        ei[:, :e // CHUNK * CHUNK].reshape(2, -1, CHUNK))
    tail3 = jnp.concatenate(
        [ei[:, main_chunks * CHUNK:], jnp.stack([row_pad, col_pad])],
        axis=1).reshape(2, -1, CHUNK)

    slab = n_pad // NS
    ones1 = jnp.ones((CHUNK,), jnp.float32)
    zeros1 = jnp.zeros((slab,), jnp.float32)
    zerosd = jnp.zeros((slab, D), jnp.float32)

    degs = _make_deg_kernel(n_pad, cpt, main_chunks)(ei3, tail3, ones1, zeros1)
    deg_col = degs.reshape(NC, n_pad).sum(0).reshape(n_pad, 1)

    y, dis = pl.pallas_call(
        functools.partial(_linear_body, n_pad),
        out_shape=[
            jax.ShapeDtypeStruct((n_pad, d_out), jnp.float32),
            jax.ShapeDtypeStruct((n_pad, 1), jnp.float32),
        ],
    )(x, W, deg_col)

    accs = _make_scatter_kernel(n_pad, cpt, main_chunks)(y, ei3, tail3, zerosd)

    out = pl.pallas_call(
        functools.partial(_post_body, n),
        out_shape=jax.ShapeDtypeStruct((n, d_out), jnp.float32),
    )(accs, y, dis, b.reshape(1, -1), gamma.reshape(1, -1), beta.reshape(1, -1))
    return out

# --- scband reference (transcript-rebuilt; emitter-appended) ---
"""Pipeline reference for scband-custom-gcnlayer-55035710931807 (READ-ONLY COPY).

The authoritative reference and input builder live on the scoring server;
editing this copy changes nothing except your own understanding.
"""

import jax, jax.numpy as jnp
import numpy as np

N_NODES = 10000
N_EDGES = 320000
D_IN = 128
D_OUT = 128


def setup_inputs(seed: int = 0) -> dict:
    key = jax.random.key(seed)
    k1, k2, k3, k4, k5, k6 = jax.random.split(key, 6)
    x = jax.random.normal(k1, (N_NODES, D_IN), dtype=jnp.float32)
    edge_index = jax.random.randint(k2, (2, N_EDGES), 0, N_NODES, dtype=jnp.int64)
    # GCNConv learned params (glorot weight, zero bias like PyG defaults)
    W = jax.random.normal(k3, (D_IN, D_OUT), dtype=jnp.float32) * (1.0 / np.sqrt(D_IN))
    b = jnp.zeros((D_OUT,), dtype=jnp.float32)
    # BatchNorm1d affine params
    gamma = jnp.ones((D_OUT,), dtype=jnp.float32)
    beta = jnp.zeros((D_OUT,), dtype=jnp.float32)
    return {"x": x, "edge_index": edge_index, "W": W, "b": b, "gamma": gamma, "beta": beta}


def reference(x, edge_index, W, b, gamma, beta):
    N = x.shape[0]
    # --- GCNConv with self-loops and symmetric normalization ---
    self_loops = jnp.arange(N, dtype=edge_index.dtype)
    row = jnp.concatenate([edge_index[0], self_loops])  # source
    col = jnp.concatenate([edge_index[1], self_loops])  # destination
    deg = jnp.zeros((N,), dtype=x.dtype).at[col].add(1.0)
    deg_inv_sqrt = jnp.where(deg > 0, jax.lax.rsqrt(jnp.maximum(deg, 1e-12)), 0.0)
    norm = deg_inv_sqrt[row] * deg_inv_sqrt[col]
    xw = x @ W
    msg = xw[row] * norm[:, None]
    out = jnp.zeros((N, W.shape[1]), dtype=x.dtype).at[col].add(msg)
    out = out + b
    # --- LeakyReLU (default negative_slope=0.01) ---
    out = jnp.where(out >= 0, out, 0.01 * out)
    # --- BatchNorm1d (training-mode forward: batch statistics) ---
    mean = jnp.mean(out, axis=0)
    var = jnp.var(out, axis=0)
    out = (out - mean) * jax.lax.rsqrt(var + 1e-5) * gamma + beta
    return out

if __name__ == "__main__":
    import jax
    _d = setup_inputs()
    print(jax.jit(kernel)(*tuple(_d.values())))

</pallas_src>

<mosaic_0001>
#map = affine_map<(d0, d1) -> (0, 0)>
#map1 = affine_map<(d0, d1) -> (0, 0, 0)>
module attributes {stable_mosaic.version = 14 : i64} {
  func.func @scatter_kernel(%arg0: i32, %arg1: i32, %arg2: memref<10240x128xf32, #tpu.memory_space<hbm>>, %arg3: memref<2x2500x128xi32, #tpu.memory_space<hbm>>, %arg4: memref<2x64x128xi32, #tpu.memory_space<hbm>>, %arg5: memref<640x128xf32, #tpu.memory_space<hbm>>, %arg6: memref<2x10240x128xf32, #tpu.memory_space<hbm>>, %arg7: memref<2x16x128xi32, #tpu.memory_space<vmem>>, %arg8: memref<16x128xi32, #tpu.memory_space<vmem>>, %arg9: memref<128x128xf32, #tpu.memory_space<vmem>>, %arg10: memref<128x128xf32, #tpu.memory_space<vmem>>, %arg11: memref<!tpu.dma_semaphore, #tpu.memory_space<semaphore_mem>>, %arg12: memref<!tpu.dma_semaphore, #tpu.memory_space<semaphore_mem>>, %arg13: memref<10240x128xf32, #tpu.memory_space<vmem_shared>>) attributes {dimension_semantics = [#tpu.dimension_semantics<core_parallel>, #tpu.dimension_semantics<subcore_parallel>], iteration_bounds = array<i64: 2, 16>, scalar_prefetch = 0 : i64, scratch_operands = 7 : i64, tpu.core_type = #tpu.core_type<sc_vector_subcore>, window_params = [{transform_indices = #map}, {transform_indices = #map1}, {transform_indices = #map1}, {transform_indices = #map}, {transform_indices = #map1}]} {
    %mul3A = arith.constant 16 : i32
    %mul3A_0 = arith.muli %arg0, %mul3A : i32
    %add3A = arith.addi %mul3A_0, %arg1 : i32
    %mul3A_1 = arith.constant 80 : i32
    %mul3A_2 = arith.muli %add3A, %mul3A_1 : i32
    %mul3A_3 = arith.constant 640 : i32
    %mul3A_4 = arith.muli %arg1, %mul3A_3 : i32
    "tpu.region"() ({
      %run_scoped3A = tpu.sem_alloc : memref<!tpu.dma_semaphore, #tpu.memory_space<semaphore_mem>>
      %dma_start3A_55 = arith.constant 0 : i32
      %dma_start3A_56 = tpu.memref_slice %arg13[%mul3A_4, %dma_start3A_55] : memref<10240x128xf32, #tpu.memory_space<vmem_shared>> -> memref<640x128xf32, #tpu.memory_space<vmem_shared>>
      tpu.enqueue_dma source(%arg5 : memref<640x128xf32, #tpu.memory_space<hbm>>) target(%dma_start3A_56 : memref<640x128xf32, #tpu.memory_space<vmem_shared>>) target_semaphore(%run_scoped3A : memref<!tpu.dma_semaphore, #tpu.memory_space<semaphore_mem>>)
      %dma_wait3A = arith.constant 0 : i32
      %dma_wait3A_57 = tpu.memref_slice %arg13[%mul3A_4, %dma_wait3A] : memref<10240x128xf32, #tpu.memory_space<vmem_shared>> -> memref<640x128xf32, #tpu.memory_space<vmem_shared>>
      tpu.wait_dma2 semaphore(%run_scoped3A : memref<!tpu.dma_semaphore, #tpu.memory_space<semaphore_mem>>) src(%arg5 : memref<640x128xf32, #tpu.memory_space<hbm>>) dst(%dma_wait3A_57 : memref<640x128xf32, #tpu.memory_space<vmem_shared>>)
      tpu.yield
    }) : () -> ()
    %lt3A = arith.constant 2496 : i32
    %lt3A_5 = arith.cmpi slt, %mul3A_2, %lt3A : i32
    %convert_element_type3A = arith.extui %lt3A_5 : i1 to i32
    %cond3A = arith.constant 0 : i32
    %cond3A_6 = arith.constant 0 : i32
    %cond3A_7 = arith.cmpi ne, %convert_element_type3A, %cond3A_6 : i32
    scf.if %cond3A_7 {
      %run_scoped3A = arith.constant 0 : i32
      "tpu.region"() ({
        %run_scoped3A_55 = tpu.sem_alloc : memref<!tpu.dma_semaphore, #tpu.memory_space<semaphore_mem>>
        %dma_start3A_56 = arith.constant 0 : i32
        %dma_start3A_57 = arith.constant 0 : i32
        %dma_start3A_58 = tpu.memref_slice %arg7[%cond3A, %dma_start3A_56, %dma_start3A_57] : memref<2x16x128xi32, #tpu.memory_space<vmem>> -> memref<1x16x128xi32, #tpu.memory_space<vmem>>
        %dma_start3A_59 = tpu.memref_squeeze %dma_start3A_58 : memref<1x16x128xi32, #tpu.memory_space<vmem>> -> memref<16x128xi32, #tpu.memory_space<vmem>>
        %dma_start3A_60 = arith.constant 0 : i32
        %dma_start3A_61 = tpu.memref_slice %arg3[%run_scoped3A, %mul3A_2, %dma_start3A_60] : memref<2x2500x128xi32, #tpu.memory_space<hbm>> -> memref<1x16x128xi32, #tpu.memory_space<hbm>>
        %dma_start3A_62 = tpu.memref_squeeze %dma_start3A_61 : memref<1x16x128xi32, #tpu.memory_space<hbm>> -> memref<16x128xi32, #tpu.memory_space<hbm>>
        %dma_start3A_63 = arith.constant 0 : i32
        %dma_start3A_64 = arith.constant 0 : i32
        %dma_start3A_65 = tpu.memref_slice %arg7[%cond3A, %dma_start3A_63, %dma_start3A_64] : memref<2x16x128xi32, #tpu.memory_space<vmem>> -> memref<1x16x128xi32, #tpu.memory_space<vmem>>
        %dma_start3A_66 = tpu.memref_squeeze %dma_start3A_65 : memref<1x16x128xi32, #tpu.memory_space<vmem>> -> memref<16x128xi32, #tpu.memory_space<vmem>>
        %dma_start3A_67 = arith.constant 0 : i32
        %dma_start3A_68 = tpu.memref_slice %arg3[%run_scoped3A, %mul3A_2, %dma_start3A_67] : memref<2x2500x128xi32, #tpu.memory_space<hbm>> -> memref<1x16x128xi32, #tpu.memory_space<hbm>>
        %dma_start3A_69 = tpu.memref_squeeze %dma_start3A_68 : memref<1x16x128xi32, #tpu.memory_space<hbm>> -> memref<16x128xi32, #tpu.memory_space<hbm>>
        tpu.enqueue_dma source(%dma_start3A_69 : memref<16x128xi32, #tpu.memory_space<hbm>>) target(%dma_start3A_66 : memref<16x128xi32, #tpu.memory_space<vmem>>) target_semaphore(%run_scoped3A_55 : memref<!tpu.dma_semaphore, #tpu.memory_space<semaphore_mem>>)
        %dma_wait3A = arith.constant 0 : i32
        %dma_wait3A_70 = arith.constant 0 : i32
        %dma_wait3A_71 = tpu.memref_slice %arg7[%cond3A, %dma_wait3A, %dma_wait3A_70] : memref<2x16x128xi32, #tpu.memory_space<vmem>> -> memref<1x16x128xi32, #tpu.memory_space<vmem>>
        %dma_wait3A_72 = tpu.memref_squeeze %dma_wait3A_71 : memref<1x16x128xi32, #tpu.memory_space<vmem>> -> memref<16x128xi32, #tpu.memory_space<vmem>>
        %dma_wait3A_73 = arith.constant 0 : i32
        %dma_wait3A_74 = tpu.memref_slice %arg3[%run_scoped3A, %mul3A_2, %dma_wait3A_73] : memref<2x2500x128xi32, #tpu.memory_space<hbm>> -> memref<1x16x128xi32, #tpu.memory_space<hbm>>
        %dma_wait3A_75 = tpu.memref_squeeze %dma_wait3A_74 : memref<1x16x128xi32, #tpu.memory_space<hbm>> -> memref<16x128xi32, #tpu.memory_space<hbm>>
        %dma_wait3A_76 = arith.constant 0 : i32
        %dma_wait3A_77 = arith.constant 0 : i32
        %dma_wait3A_78 = tpu.memref_slice %arg7[%cond3A, %dma_wait3A_76, %dma_wait3A_77] : memref<2x16x128xi32, #tpu.memory_space<vmem>> -> memref<1x16x128xi32, #tpu.memory_space<vmem>>
        %dma_wait3A_79 = tpu.memref_squeeze %dma_wait3A_78 : memref<1x16x128xi32, #tpu.memory_space<vmem>> -> memref<16x128xi32, #tpu.memory_space<vmem>>
        %dma_wait3A_80 = arith.constant 0 : i32
        %dma_wait3A_81 = tpu.memref_slice %arg3[%run_scoped3A, %mul3A_2, %dma_wait3A_80] : memref<2x2500x128xi32, #tpu.memory_space<hbm>> -> memref<1x16x128xi32, #tpu.memory_space<hbm>>
        %dma_wait3A_82 = tpu.memref_squeeze %dma_wait3A_81 : memref<1x16x128xi32, #tpu.memory_space<hbm>> -> memref<16x128xi32, #tpu.memory_space<hbm>>
        tpu.wait_dma2 semaphore(%run_scoped3A_55 : memref<!tpu.dma_semaphore, #tpu.memory_space<semaphore_mem>>) src(%dma_wait3A_82 : memref<16x128xi32, #tpu.memory_space<hbm>>) dst(%dma_wait3A_79 : memref<16x128xi32, #tpu.memory_space<vmem>>)
        tpu.yield
      }) : () -> ()
    } else {
    }
    %ge3A = arith.constant 2496 : i32
    %ge3A_8 = arith.cmpi sge, %mul3A_2, %ge3A : i32
    %convert_element_type3A_9 = arith.extui %ge3A_8 : i1 to i32
    %cond3A_10 = arith.constant 0 : i32
    %cond3A_11 = arith.constant 0 : i32
    %cond3A_12 = arith.cmpi ne, %convert_element_type3A_9, %cond3A_11 : i32
    scf.if %cond3A_12 {
      %sub3A = arith.constant 2496 : i32
      %sub3A_55 = arith.subi %mul3A_2, %sub3A : i32
      %run_scoped3A = arith.constant 0 : i32
      "tpu.region"() ({
        %run_scoped3A_56 = tpu.sem_alloc : memref<!tpu.dma_semaphore, #tpu.memory_space<semaphore_mem>>
        %dma_start3A_57 = arith.constant 0 : i32
        %dma_start3A_58 = arith.constant 0 : i32
        %dma_start3A_59 = tpu.memref_slice %arg7[%cond3A_10, %dma_start3A_57, %dma_start3A_58] : memref<2x16x128xi32, #tpu.memory_space<vmem>> -> memref<1x16x128xi32, #tpu.memory_space<vmem>>
        %dma_start3A_60 = tpu.memref_squeeze %dma_start3A_59 : memref<1x16x128xi32, #tpu.memory_space<vmem>> -> memref<16x128xi32, #tpu.memory_space<vmem>>
        %dma_start3A_61 = arith.constant 0 : i32
        %dma_start3A_62 = tpu.memref_slice %arg4[%run_scoped3A, %sub3A_55, %dma_start3A_61] : memref<2x64x128xi32, #tpu.memory_space<hbm>> -> memref<1x16x128xi32, #tpu.memory_space<hbm>>
        %dma_start3A_63 = tpu.memref_squeeze %dma_start3A_62 : memref<1x16x128xi32, #tpu.memory_space<hbm>> -> memref<16x128xi32, #tpu.memory_space<hbm>>
        %dma_start3A_64 = arith.constant 0 : i32
        %dma_start3A_65 = arith.constant 0 : i32
        %dma_start3A_66 = tpu.memref_slice %arg7[%cond3A_10, %dma_start3A_64, %dma_start3A_65] : memref<2x16x128xi32, #tpu.memory_space<vmem>> -> memref<1x16x128xi32, #tpu.memory_space<vmem>>
        %dma_start3A_67 = tpu.memref_squeeze %dma_start3A_66 : memref<1x16x128xi32, #tpu.memory_space<vmem>> -> memref<16x128xi32, #tpu.memory_space<vmem>>
        %dma_start3A_68 = arith.constant 0 : i32
        %dma_start3A_69 = tpu.memref_slice %arg4[%run_scoped3A, %sub3A_55, %dma_start3A_68] : memref<2x64x128xi32, #tpu.memory_space<hbm>> -> memref<1x16x128xi32, #tpu.memory_space<hbm>>
        %dma_start3A_70 = tpu.memref_squeeze %dma_start3A_69 : memref<1x16x128xi32, #tpu.memory_space<hbm>> -> memref<16x128xi32, #tpu.memory_space<hbm>>
        tpu.enqueue_dma source(%dma_start3A_70 : memref<16x128xi32, #tpu.memory_space<hbm>>) target(%dma_start3A_67 : memref<16x128xi32, #tpu.memory_space<vmem>>) target_semaphore(%run_scoped3A_56 : memref<!tpu.dma_semaphore, #tpu.memory_space<semaphore_mem>>)
        %dma_wait3A = arith.constant 0 : i32
        %dma_wait3A_71 = arith.constant 0 : i32
        %dma_wait3A_72 = tpu.memref_slice %arg7[%cond3A_10, %dma_wait3A, %dma_wait3A_71] : memref<2x16x128xi32, #tpu.memory_space<vmem>> -> memref<1x16x128xi32, #tpu.memory_space<vmem>>
        %dma_wait3A_73 = tpu.memref_squeeze %dma_wait3A_72 : memref<1x16x128xi32, #tpu.memory_space<vmem>> -> memref<16x128xi32, #tpu.memory_space<vmem>>
        %dma_wait3A_74 = arith.constant 0 : i32
        %dma_wait3A_75 = tpu.memref_slice %arg4[%run_scoped3A, %sub3A_55, %dma_wait3A_74] : memref<2x64x128xi32, #tpu.memory_space<hbm>> -> memref<1x16x128xi32, #tpu.memory_space<hbm>>
        %dma_wait3A_76 = tpu.memref_squeeze %dma_wait3A_75 : memref<1x16x128xi32, #tpu.memory_space<hbm>> -> memref<16x128xi32, #tpu.memory_space<hbm>>
        %dma_wait3A_77 = arith.constant 0 : i32
        %dma_wait3A_78 = arith.constant 0 : i32
        %dma_wait3A_79 = tpu.memref_slice %arg7[%cond3A_10, %dma_wait3A_77, %dma_wait3A_78] : memref<2x16x128xi32, #tpu.memory_space<vmem>> -> memref<1x16x128xi32, #tpu.memory_space<vmem>>
        %dma_wait3A_80 = tpu.memref_squeeze %dma_wait3A_79 : memref<1x16x128xi32, #tpu.memory_space<vmem>> -> memref<16x128xi32, #tpu.memory_space<vmem>>
        %dma_wait3A_81 = arith.constant 0 : i32
        %dma_wait3A_82 = tpu.memref_slice %arg4[%run_scoped3A, %sub3A_55, %dma_wait3A_81] : memref<2x64x128xi32, #tpu.memory_space<hbm>> -> memref<1x16x128xi32, #tpu.memory_space<hbm>>
        %dma_wait3A_83 = tpu.memref_squeeze %dma_wait3A_82 : memref<1x16x128xi32, #tpu.memory_space<hbm>> -> memref<16x128xi32, #tpu.memory_space<hbm>>
        tpu.wait_dma2 semaphore(%run_scoped3A_56 : memref<!tpu.dma_semaphore, #tpu.memory_space<semaphore_mem>>) src(%dma_wait3A_83 : memref<16x128xi32, #tpu.memory_space<hbm>>) dst(%dma_wait3A_80 : memref<16x128xi32, #tpu.memory_space<vmem>>)
        tpu.yield
      }) : () -> ()
    } else {
    }
    %lt3A_13 = arith.constant 2496 : i32
    %lt3A_14 = arith.cmpi slt, %mul3A_2, %lt3A_13 : i32
    %convert_element_type3A_15 = arith.extui %lt3A_14 : i1 to i32
    %cond3A_16 = arith.constant 0 : i32
    %cond3A_17 = arith.cmpi ne, %convert_element_type3A_15, %cond3A_16 : i32
    scf.if %cond3A_17 {
      %run_scoped3A = arith.constant 1 : i32
      "tpu.region"() ({
        %run_scoped3A_55 = tpu.sem_alloc : memref<!tpu.dma_semaphore, #tpu.memory_space<semaphore_mem>>
        %dma_start3A_56 = arith.constant 0 : i32
        %dma_start3A_57 = tpu.memref_slice %arg3[%run_scoped3A, %mul3A_2, %dma_start3A_56] : memref<2x2500x128xi32, #tpu.memory_space<hbm>> -> memref<1x16x128xi32, #tpu.memory_space<hbm>>
        %dma_start3A_58 = tpu.memref_squeeze %dma_start3A_57 : memref<1x16x128xi32, #tpu.memory_space<hbm>> -> memref<16x128xi32, #tpu.memory_space<hbm>>
        %dma_start3A_59 = arith.constant 0 : i32
        %dma_start3A_60 = tpu.memref_slice %arg3[%run_scoped3A, %mul3A_2, %dma_start3A_59] : memref<2x2500x128xi32, #tpu.memory_space<hbm>> -> memref<1x16x128xi32, #tpu.memory_space<hbm>>
        %dma_start3A_61 = tpu.memref_squeeze %dma_start3A_60 : memref<1x16x128xi32, #tpu.memory_space<hbm>> -> memref<16x128xi32, #tpu.memory_space<hbm>>
        tpu.enqueue_dma source(%dma_start3A_61 : memref<16x128xi32, #tpu.memory_space<hbm>>) target(%arg8 : memref<16x128xi32, #tpu.memory_space<vmem>>) target_semaphore(%run_scoped3A_55 : memref<!tpu.dma_semaphore, #tpu.memory_space<semaphore_mem>>)
        %dma_wait3A = arith.constant 0 : i32
        %dma_wait3A_62 = tpu.memref_slice %arg3[%run_scoped3A, %mul3A_2, %dma_wait3A] : memref<2x2500x128xi32, #tpu.memory_space<hbm>> -> memref<1x16x128xi32, #tpu.memory_space<hbm>>
        %dma_wait3A_63 = tpu.memref_squeeze %dma_wait3A_62 : memref<1x16x128xi32, #tpu.memory_space<hbm>> -> memref<16x128xi32, #tpu.memory_space<hbm>>
        %dma_wait3A_64 = arith.constant 0 : i32
        %dma_wait3A_65 = tpu.memref_slice %arg3[%run_scoped3A, %mul3A_2, %dma_wait3A_64] : memref<2x2500x128xi32, #tpu.memory_space<hbm>> -> memref<1x16x128xi32, #tpu.memory_space<hbm>>
        %dma_wait3A_66 = tpu.memref_squeeze %dma_wait3A_65 : memref<1x16x128xi32, #tpu.memory_space<hbm>> -> memref<16x128xi32, #tpu.memory_space<hbm>>
        tpu.wait_dma2 semaphore(%run_scoped3A_55 : memref<!tpu.dma_semaphore, #tpu.memory_space<semaphore_mem>>) src(%dma_wait3A_66 : memref<16x128xi32, #tpu.memory_space<hbm>>) dst(%arg8 : memref<16x128xi32, #tpu.memory_space<vmem>>)
        tpu.yield
      }) : () -> ()
    } else {
    }
    %ge3A_18 = arith.constant 2496 : i32
    %ge3A_19 = arith.cmpi sge, %mul3A_2, %ge3A_18 : i32
    %convert_element_type3A_20 = arith.extui %ge3A_19 : i1 to i32
    %cond3A_21 = arith.constant 0 : i32
    %cond3A_22 = arith.cmpi ne, %convert_element_type3A_20, %cond3A_21 : i32
    scf.if %cond3A_22 {
      %sub3A = arith.constant 2496 : i32
      %sub3A_55 = arith.subi %mul3A_2, %sub3A : i32
      %run_scoped3A = arith.constant 1 : i32
      "tpu.region"() ({
        %run_scoped3A_56 = tpu.sem_alloc : memref<!tpu.dma_semaphore, #tpu.memory_space<semaphore_mem>>
        %dma_start3A_57 = arith.constant 0 : i32
        %dma_start3A_58 = tpu.memref_slice %arg4[%run_scoped3A, %sub3A_55, %dma_start3A_57] : memref<2x64x128xi32, #tpu.memory_space<hbm>> -> memref<1x16x128xi32, #tpu.memory_space<hbm>>
        %dma_start3A_59 = tpu.memref_squeeze %dma_start3A_58 : memref<1x16x128xi32, #tpu.memory_space<hbm>> -> memref<16x128xi32, #tpu.memory_space<hbm>>
        %dma_start3A_60 = arith.constant 0 : i32
        %dma_start3A_61 = tpu.memref_slice %arg4[%run_scoped3A, %sub3A_55, %dma_start3A_60] : memref<2x64x128xi32, #tpu.memory_space<hbm>> -> memref<1x16x128xi32, #tpu.memory_space<hbm>>
        %dma_start3A_62 = tpu.memref_squeeze %dma_start3A_61 : memref<1x16x128xi32, #tpu.memory_space<hbm>> -> memref<16x128xi32, #tpu.memory_space<hbm>>
        tpu.enqueue_dma source(%dma_start3A_62 : memref<16x128xi32, #tpu.memory_space<hbm>>) target(%arg8 : memref<16x128xi32, #tpu.memory_space<vmem>>) target_semaphore(%run_scoped3A_56 : memref<!tpu.dma_semaphore, #tpu.memory_space<semaphore_mem>>)
        %dma_wait3A = arith.constant 0 : i32
        %dma_wait3A_63 = tpu.memref_slice %arg4[%run_scoped3A, %sub3A_55, %dma_wait3A] : memref<2x64x128xi32, #tpu.memory_space<hbm>> -> memref<1x16x128xi32, #tpu.memory_space<hbm>>
        %dma_wait3A_64 = tpu.memref_squeeze %dma_wait3A_63 : memref<1x16x128xi32, #tpu.memory_space<hbm>> -> memref<16x128xi32, #tpu.memory_space<hbm>>
        %dma_wait3A_65 = arith.constant 0 : i32
        %dma_wait3A_66 = tpu.memref_slice %arg4[%run_scoped3A, %sub3A_55, %dma_wait3A_65] : memref<2x64x128xi32, #tpu.memory_space<hbm>> -> memref<1x16x128xi32, #tpu.memory_space<hbm>>
        %dma_wait3A_67 = tpu.memref_squeeze %dma_wait3A_66 : memref<1x16x128xi32, #tpu.memory_space<hbm>> -> memref<16x128xi32, #tpu.memory_space<hbm>>
        tpu.wait_dma2 semaphore(%run_scoped3A_56 : memref<!tpu.dma_semaphore, #tpu.memory_space<semaphore_mem>>) src(%dma_wait3A_67 : memref<16x128xi32, #tpu.memory_space<hbm>>) dst(%arg8 : memref<16x128xi32, #tpu.memory_space<vmem>>)
        tpu.yield
      }) : () -> ()
    } else {
    }
    %barrier3A = arith.constant 0 : index
    tpu.barrier barrier_id(%barrier3A)
    %rem3A = arith.constant 0 : i32
    %rem3A_23 = arith.constant 2 : i32
    %rem3A_24 = arith.remsi %rem3A, %rem3A_23 : i32
    %rem3A_25 = arith.constant 0 : i32
    %rem3A_26 = arith.constant 16 : i32
    %rem3A_27 = arith.remsi %rem3A_25, %rem3A_26 : i32
    %dma_start3A = arith.constant 0 : i32
    %dma_start3A_28 = tpu.memref_slice %arg7[%rem3A_24, %rem3A_27, %dma_start3A] : memref<2x16x128xi32, #tpu.memory_space<vmem>> -> memref<1x1x128xi32, #tpu.memory_space<vmem>>
    %dma_start3A_29 = tpu.memref_squeeze %dma_start3A_28 : memref<1x1x128xi32, #tpu.memory_space<vmem>> -> memref<128xi32, #tpu.memory_space<vmem>>
    %dma_start3A_30 = arith.constant 0 : i32
    %dma_start3A_31 = arith.constant 0 : i32
    %dma_start3A_32 = tpu.memref_slice %arg2[%dma_start3A_30, %dma_start3A_31] : memref<10240x128xf32, #tpu.memory_space<hbm>> -> memref<10240x128xf32, #tpu.memory_space<hbm>>
    tpu.enqueue_indirect_dma source(%dma_start3A_32 : memref<10240x128xf32, #tpu.memory_space<hbm>>) target(%arg9 : memref<128x128xf32, #tpu.memory_space<vmem>>) offsets(%dma_start3A_29 : memref<128xi32, #tpu.memory_space<vmem>>) semaphore(%arg11 : memref<!tpu.dma_semaphore, #tpu.memory_space<semaphore_mem>>)
    %rem3A_33 = arith.constant 0 : i32
    %rem3A_34 = arith.constant 2 : i32
    %rem3A_35 = arith.remsi %rem3A_33, %rem3A_34 : i32
    %rem3A_36 = arith.constant 1 : i32
    %rem3A_37 = arith.constant 16 : i32
    %rem3A_38 = arith.remsi %rem3A_36, %rem3A_37 : i32
    %dma_start3A_39 = arith.constant 0 : i32
    %dma_start3A_40 = tpu.memref_slice %arg7[%rem3A_35, %rem3A_38, %dma_start3A_39] : memref<2x16x128xi32, #tpu.memory_space<vmem>> -> memref<1x1x128xi32, #tpu.memory_space<vmem>>
    %dma_start3A_41 = tpu.memref_squeeze %dma_start3A_40 : memref<1x1x128xi32, #tpu.memory_space<vmem>> -> memref<128xi32, #tpu.memory_space<vmem>>
    %dma_start3A_42 = arith.constant 0 : i32
    %dma_start3A_43 = arith.constant 0 : i32
    %dma_start3A_44 = tpu.memref_slice %arg2[%dma_start3A_42, %dma_start3A_43] : memref<10240x128xf32, #tpu.memory_space<hbm>> -> memref<10240x128xf32, #tpu.memory_space<hbm>>
    tpu.enqueue_indirect_dma source(%dma_start3A_44 : memref<10240x128xf32, #tpu.memory_space<hbm>>) target(%arg10 : memref<128x128xf32, #tpu.memory_space<vmem>>) offsets(%dma_start3A_41 : memref<128xi32, #tpu.memory_space<vmem>>) semaphore(%arg12 : memref<!tpu.dma_semaphore, #tpu.memory_space<semaphore_mem>>)
    %scan3A = arith.constant 0 : i32
    %scan3A_45 = arith.constant 0 : i32
    %scan3A_46 = arith.constant 40 : i32
    %scan3A_47 = arith.addi %scan3A_45, %scan3A_46 : i32
    %scan3A_48 = arith.constant 1 : i32
    scf.for %scan3A_55 = %scan3A_45 to %scan3A_47 step %scan3A_48  : i32 {
      %mul3A_56 = arith.constant 2 : i32
      %mul3A_57 = arith.muli %mul3A_56, %scan3A_55 : i32
      %jit3A = arith.constant 16 : i32
      %div3A = arith.divsi %mul3A_57, %jit3A : i32
      %sign3A = arith.constant 0 : i32
      %sign3A_58 = arith.cmpi sgt, %mul3A_57, %sign3A : i32
      %sign3A_59 = arith.extui %sign3A_58 : i1 to i32
      %sign3A_60 = arith.constant 0 : i32
      %sign3A_61 = arith.cmpi slt, %mul3A_57, %sign3A_60 : i32
      %sign3A_62 = arith.extui %sign3A_61 : i1 to i32
      %sign3A_63 = arith.subi %sign3A_59, %sign3A_62 : i32
      %sign3A_64 = arith.constant 0 : i32
      %sign3A_65 = arith.cmpi sgt, %jit3A, %sign3A_64 : i32
      %sign3A_66 = arith.extui %sign3A_65 : i1 to i32
      %sign3A_67 = arith.constant 0 : i32
      %sign3A_68 = arith.cmpi slt, %jit3A, %sign3A_67 : i32
      %sign3A_69 = arith.extui %sign3A_68 : i1 to i32
      %sign3A_70 = arith.subi %sign3A_66, %sign3A_69 : i32
      %ne3A = arith.cmpi ne, %sign3A_63, %sign3A_70 : i32
      %rem3A_71 = arith.remsi %mul3A_57, %jit3A : i32
      %ne3A_72 = arith.constant 0 : i32
      %ne3A_73 = arith.cmpi ne, %rem3A_71, %ne3A_72 : i32
      %and3A = arith.andi %ne3A, %ne3A_73 : i1
      %sub3A = arith.constant 1 : i32
      %sub3A_74 = arith.subi %div3A, %sub3A : i32
      %select_n3A = arith.select %and3A, %sub3A_74, %div3A : i32
      %rem3A_75 = arith.constant 16 : i32
      %rem3A_76 = arith.remsi %mul3A_57, %rem3A_75 : i32
      %eq3A = arith.constant 0 : i32
      %eq3A_77 = arith.cmpi eq, %rem3A_76, %eq3A : i32
      %convert_element_type3A_78 = arith.extui %eq3A_77 : i1 to i32
      %cond3A_79 = arith.constant 0 : i32
      %cond3A_80 = arith.cmpi ne, %convert_element_type3A_78, %cond3A_79 : i32
      scf.if %cond3A_80 {
        %gt3A = arith.constant 0 : i32
        %gt3A_170 = arith.cmpi sgt, %mul3A_57, %gt3A : i32
        %convert_element_type3A_171 = arith.extui %gt3A_170 : i1 to i32
        %cond3A_172 = arith.constant 0 : i32
        %cond3A_173 = arith.cmpi ne, %convert_element_type3A_171, %cond3A_172 : i32
        scf.if %cond3A_173 {
          %mul3A_183 = arith.constant 16 : i32
          %mul3A_184 = arith.muli %select_n3A, %mul3A_183 : i32
          %add3A_185 = arith.addi %mul3A_2, %mul3A_184 : i32
          %lt3A_186 = arith.constant 2496 : i32
          %lt3A_187 = arith.cmpi slt, %add3A_185, %lt3A_186 : i32
          %convert_element_type3A_188 = arith.extui %lt3A_187 : i1 to i32
          %cond3A_189 = arith.constant 0 : i32
          %cond3A_190 = arith.cmpi ne, %convert_element_type3A_188, %cond3A_189 : i32
          scf.if %cond3A_190 {
            %run_scoped3A = arith.constant 1 : i32
            "tpu.region"() ({
              %run_scoped3A_196 = tpu.sem_alloc : memref<!tpu.dma_semaphore, #tpu.memory_space<semaphore_mem>>
              %dma_start3A_197 = arith.constant 0 : i32
              %dma_start3A_198 = tpu.memref_slice %arg3[%run_scoped3A, %add3A_185, %dma_start3A_197] : memref<2x2500x128xi32, #tpu.memory_space<hbm>> -> memref<1x16x128xi32, #tpu.memory_space<hbm>>
              %dma_start3A_199 = tpu.memref_squeeze %dma_start3A_198 : memref<1x16x128xi32, #tpu.memory_space<hbm>> -> memref<16x128xi32, #tpu.memory_space<hbm>>
              %dma_start3A_200 = arith.constant 0 : i32
              %dma_start3A_201 = tpu.memref_slice %arg3[%run_scoped3A, %add3A_185, %dma_start3A_200] : memref<2x2500x128xi32, #tpu.memory_space<hbm>> -> memref<1x16x128xi32, #tpu.memory_space<hbm>>
              %dma_start3A_202 = tpu.memref_squeeze %dma_start3A_201 : memref<1x16x128xi32, #tpu.memory_space<hbm>> -> memref<16x128xi32, #tpu.memory_space<hbm>>
              tpu.enqueue_dma source(%dma_start3A_202 : memref<16x128xi32, #tpu.memory_space<hbm>>) target(%arg8 : memref<16x128xi32, #tpu.memory_space<vmem>>) target_semaphore(%run_scoped3A_196 : memref<!tpu.dma_semaphore, #tpu.memory_space<semaphore_mem>>)
              %dma_wait3A_203 = arith.constant 0 : i32
              %dma_wait3A_204 = tpu.memref_slice %arg3[%run_scoped3A, %add3A_185, %dma_wait3A_203] : memref<2x2500x128xi32, #tpu.memory_space<hbm>> -> memref<1x16x128xi32, #tpu.memory_space<hbm>>
              %dma_wait3A_205 = tpu.memref_squeeze %dma_wait3A_204 : memref<1x16x128xi32, #tpu.memory_space<hbm>> -> memref<16x128xi32, #tpu.memory_space<hbm>>
              %dma_wait3A_206 = arith.constant 0 : i32
              %dma_wait3A_207 = tpu.memref_slice %arg3[%run_scoped3A, %add3A_185, %dma_wait3A_206] : memref<2x2500x128xi32, #tpu.memory_space<hbm>> -> memref<1x16x128xi32, #tpu.memory_space<hbm>>
              %dma_wait3A_208 = tpu.memref_squeeze %dma_wait3A_207 : memref<1x16x128xi32, #tpu.memory_space<hbm>> -> memref<16x128xi32, #tpu.memory_space<hbm>>
              tpu.wait_dma2 semaphore(%run_scoped3A_196 : memref<!tpu.dma_semaphore, #tpu.memory_space<semaphore_mem>>) src(%dma_wait3A_208 : memref<16x128xi32, #tpu.memory_space<hbm>>) dst(%arg8 : memref<16x128xi32, #tpu.memory_space<vmem>>)
              tpu.yield
            }) : () -> ()
          } else {
          }
          %ge3A_191 = arith.constant 2496 : i32
          %ge3A_192 = arith.cmpi sge, %add3A_185, %ge3A_191 : i32
          %convert_element_type3A_193 = arith.extui %ge3A_192 : i1 to i32
          %cond3A_194 = arith.constant 0 : i32
          %cond3A_195 = arith.cmpi ne, %convert_element_type3A_193, %cond3A_194 : i32
          scf.if %cond3A_195 {
            %sub3A_196 = arith.constant 2496 : i32
            %sub3A_197 = arith.subi %add3A_185, %sub3A_196 : i32
            %run_scoped3A = arith.constant 1 : i32
            "tpu.region"() ({
              %run_scoped3A_198 = tpu.sem_alloc : memref<!tpu.dma_semaphore, #tpu.memory_space<semaphore_mem>>
              %dma_start3A_199 = arith.constant 0 : i32
              %dma_start3A_200 = tpu.memref_slice %arg4[%run_scoped3A, %sub3A_197, %dma_start3A_199] : memref<2x64x128xi32, #tpu.memory_space<hbm>> -> memref<1x16x128xi32, #tpu.memory_space<hbm>>
              %dma_start3A_201 = tpu.memref_squeeze %dma_start3A_200 : memref<1x16x128xi32, #tpu.memory_space<hbm>> -> memref<16x128xi32, #tpu.memory_space<hbm>>
              %dma_start3A_202 = arith.constant 0 : i32
              %dma_start3A_203 = tpu.memref_slice %arg4[%run_scoped3A, %sub3A_197, %dma_start3A_202] : memref<2x64x128xi32, #tpu.memory_space<hbm>> -> memref<1x16x128xi32, #tpu.memory_space<hbm>>
              %dma_start3A_204 = tpu.memref_squeeze %dma_start3A_203 : memref<1x16x128xi32, #tpu.memory_space<hbm>> -> memref<16x128xi32, #tpu.memory_space<hbm>>
              tpu.enqueue_dma source(%dma_start3A_204 : memref<16x128xi32, #tpu.memory_space<hbm>>) target(%arg8 : memref<16x128xi32, #tpu.memory_space<vmem>>) target_semaphore(%run_scoped3A_198 : memref<!tpu.dma_semaphore, #tpu.memory_space<semaphore_mem>>)
              %dma_wait3A_205 = arith.constant 0 : i32
              %dma_wait3A_206 = tpu.memref_slice %arg4[%run_scoped3A, %sub3A_197, %dma_wait3A_205] : memref<2x64x128xi32, #tpu.memory_space<hbm>> -> memref<1x16x128xi32, #tpu.memory_space<hbm>>
              %dma_wait3A_207 = tpu.memref_squeeze %dma_wait3A_206 : memref<1x16x128xi32, #tpu.memory_space<hbm>> -> memref<16x128xi32, #tpu.memory_space<hbm>>
              %dma_wait3A_208 = arith.constant 0 : i32
              %dma_wait3A_209 = tpu.memref_slice %arg4[%run_scoped3A, %sub3A_197, %dma_wait3A_208] : memref<2x64x128xi32, #tpu.memory_space<hbm>> -> memref<1x16x128xi32, #tpu.memory_space<hbm>>
              %dma_wait3A_210 = tpu.memref_squeeze %dma_wait3A_209 : memref<1x16x128xi32, #tpu.memory_space<hbm>> -> memref<16x128xi32, #tpu.memory_space<hbm>>
              tpu.wait_dma2 semaphore(%run_scoped3A_198 : memref<!tpu.dma_semaphore, #tpu.memory_space<semaphore_mem>>) src(%dma_wait3A_210 : memref<16x128xi32, #tpu.memory_space<hbm>>) dst(%arg8 : memref<16x128xi32, #tpu.memory_space<vmem>>)
              tpu.yield
            }) : () -> ()
          } else {
          }
        } else {
        }
        %add3A_174 = arith.constant 1 : i32
        %add3A_175 = arith.addi %select_n3A, %add3A_174 : i32
        %mul3A_176 = arith.constant 16 : i32
        %mul3A_177 = arith.muli %add3A_175, %mul3A_176 : i32
        %lt3A_178 = arith.constant 80 : i32
        %lt3A_179 = arith.cmpi slt, %mul3A_177, %lt3A_178 : i32
        %convert_element_type3A_180 = arith.extui %lt3A_179 : i1 to i32
        %cond3A_181 = arith.constant 0 : i32
        %cond3A_182 = arith.cmpi ne, %convert_element_type3A_180, %cond3A_181 : i32
        scf.if %cond3A_182 {
          %add3A_183 = arith.constant 1 : i32
          %add3A_184 = arith.addi %select_n3A, %add3A_183 : i32
          %mul3A_185 = arith.constant 16 : i32
          %mul3A_186 = arith.muli %add3A_184, %mul3A_185 : i32
          %add3A_187 = arith.addi %mul3A_2, %mul3A_186 : i32
          %add3A_188 = arith.constant 1 : i32
          %add3A_189 = arith.addi %select_n3A, %add3A_188 : i32
          %rem3A_190 = arith.constant 2 : i32
          %rem3A_191 = arith.remsi %add3A_189, %rem3A_190 : i32
          %lt3A_192 = arith.constant 2496 : i32
          %lt3A_193 = arith.cmpi slt, %add3A_187, %lt3A_192 : i32
          %convert_element_type3A_194 = arith.extui %lt3A_193 : i1 to i32
          %cond3A_195 = arith.constant 0 : i32
          %cond3A_196 = arith.cmpi ne, %convert_element_type3A_194, %cond3A_195 : i32
          scf.if %cond3A_196 {
            %run_scoped3A = arith.constant 0 : i32
            "tpu.region"() ({
              %run_scoped3A_202 = tpu.sem_alloc : memref<!tpu.dma_semaphore, #tpu.memory_space<semaphore_mem>>
              %dma_start3A_203 = arith.constant 0 : i32
              %dma_start3A_204 = arith.constant 0 : i32
              %dma_start3A_205 = tpu.memref_slice %arg7[%rem3A_191, %dma_start3A_203, %dma_start3A_204] : memref<2x16x128xi32, #tpu.memory_space<vmem>> -> memref<1x16x128xi32, #tpu.memory_space<vmem>>
              %dma_start3A_206 = tpu.memref_squeeze %dma_start3A_205 : memref<1x16x128xi32, #tpu.memory_space<vmem>> -> memref<16x128xi32, #tpu.memory_space<vmem>>
              %dma_start3A_207 = arith.constant 0 : i32
              %dma_start3A_208 = tpu.memref_slice %arg3[%run_scoped3A, %add3A_187, %dma_start3A_207] : memref<2x2500x128xi32, #tpu.memory_space<hbm>> -> memref<1x16x128xi32, #tpu.memory_space<hbm>>
              %dma_start3A_209 = tpu.memref_squeeze %dma_start3A_208 : memref<1x16x128xi32, #tpu.memory_space<hbm>> -> memref<16x128xi32, #tpu.memory_space<hbm>>
              %dma_start3A_210 = arith.constant 0 : i32
              %dma_start3A_211 = arith.constant 0 : i32
              %dma_start3A_212 = tpu.memref_slice %arg7[%rem3A_191, %dma_start3A_210, %dma_start3A_211] : memref<2x16x128xi32, #tpu.memory_space<vmem>> -> memref<1x16x128xi32, #tpu.memory_space<vmem>>
              %dma_start3A_213 = tpu.memref_squeeze %dma_start3A_212 : memref<1x16x128xi32, #tpu.memory_space<vmem>> -> memref<16x128xi32, #tpu.memory_space<vmem>>
              %dma_start3A_214 = arith.constant 0 : i32
              %dma_start3A_215 = tpu.memref_slice %arg3[%run_scoped3A, %add3A_187, %dma_start3A_214] : memref<2x2500x128xi32, #tpu.memory_space<hbm>> -> memref<1x16x128xi32, #tpu.memory_space<hbm>>
              %dma_start3A_216 = tpu.memref_squeeze %dma_start3A_215 : memref<1x16x128xi32, #tpu.memory_space<hbm>> -> memref<16x128xi32, #tpu.memory_space<hbm>>
              tpu.enqueue_dma source(%dma_start3A_216 : memref<16x128xi32, #tpu.memory_space<hbm>>) target(%dma_start3A_213 : memref<16x128xi32, #tpu.memory_space<vmem>>) target_semaphore(%run_scoped3A_202 : memref<!tpu.dma_semaphore, #tpu.memory_space<semaphore_mem>>)
              %dma_wait3A_217 = arith.constant 0 : i32
              %dma_wait3A_218 = arith.constant 0 : i32
              %dma_wait3A_219 = tpu.memref_slice %arg7[%rem3A_191, %dma_wait3A_217, %dma_wait3A_218] : memref<2x16x128xi32, #tpu.memory_space<vmem>> -> memref<1x16x128xi32, #tpu.memory_space<vmem>>
              %dma_wait3A_220 = tpu.memref_squeeze %dma_wait3A_219 : memref<1x16x128xi32, #tpu.memory_space<vmem>> -> memref<16x128xi32, #tpu.memory_space<vmem>>
              %dma_wait3A_221 = arith.constant 0 : i32
              %dma_wait3A_222 = tpu.memref_slice %arg3[%run_scoped3A, %add3A_187, %dma_wait3A_221] : memref<2x2500x128xi32, #tpu.memory_space<hbm>> -> memref<1x16x128xi32, #tpu.memory_space<hbm>>
              %dma_wait3A_223 = tpu.memref_squeeze %dma_wait3A_222 : memref<1x16x128xi32, #tpu.memory_space<hbm>> -> memref<16x128xi32, #tpu.memory_space<hbm>>
              %dma_wait3A_224 = arith.constant 0 : i32
              %dma_wait3A_225 = arith.constant 0 : i32
              %dma_wait3A_226 = tpu.memref_slice %arg7[%rem3A_191, %dma_wait3A_224, %dma_wait3A_225] : memref<2x16x128xi32, #tpu.memory_space<vmem>> -> memref<1x16x128xi32, #tpu.memory_space<vmem>>
              %dma_wait3A_227 = tpu.memref_squeeze %dma_wait3A_226 : memref<1x16x128xi32, #tpu.memory_space<vmem>> -> memref<16x128xi32, #tpu.memory_space<vmem>>
              %dma_wait3A_228 = arith.constant 0 : i32
              %dma_wait3A_229 = tpu.memref_slice %arg3[%run_scoped3A, %add3A_187, %dma_wait3A_228] : memref<2x2500x128xi32, #tpu.memory_space<hbm>> -> memref<1x16x128xi32, #tpu.memory_space<hbm>>
              %dma_wait3A_230 = tpu.memref_squeeze %dma_wait3A_229 : memref<1x16x128xi32, #tpu.memory_space<hbm>> -> memref<16x128xi32, #tpu.memory_space<hbm>>
              tpu.wait_dma2 semaphore(%run_scoped3A_202 : memref<!tpu.dma_semaphore, #tpu.memory_space<semaphore_mem>>) src(%dma_wait3A_230 : memref<16x128xi32, #tpu.memory_space<hbm>>) dst(%dma_wait3A_227 : memref<16x128xi32, #tpu.memory_space<vmem>>)
              tpu.yield
            }) : () -> ()
          } else {
          }
          %ge3A_197 = arith.constant 2496 : i32
          %ge3A_198 = arith.cmpi sge, %add3A_187, %ge3A_197 : i32
          %convert_element_type3A_199 = arith.extui %ge3A_198 : i1 to i32
          %cond3A_200 = arith.constant 0 : i32
          %cond3A_201 = arith.cmpi ne, %convert_element_type3A_199, %cond3A_200 : i32
          scf.if %cond3A_201 {
            %sub3A_202 = arith.constant 2496 : i32
            %sub3A_203 = arith.subi %add3A_187, %sub3A_202 : i32
            %run_scoped3A = arith.constant 0 : i32
            "tpu.region"() ({
              %run_scoped3A_204 = tpu.sem_alloc : memref<!tpu.dma_semaphore, #tpu.memory_space<semaphore_mem>>
              %dma_start3A_205 = arith.constant 0 : i32
              %dma_start3A_206 = arith.constant 0 : i32
              %dma_start3A_207 = tpu.memref_slice %arg7[%rem3A_191, %dma_start3A_205, %dma_start3A_206] : memref<2x16x128xi32, #tpu.memory_space<vmem>> -> memref<1x16x128xi32, #tpu.memory_space<vmem>>
              %dma_start3A_208 = tpu.memref_squeeze %dma_start3A_207 : memref<1x16x128xi32, #tpu.memory_space<vmem>> -> memref<16x128xi32, #tpu.memory_space<vmem>>
              %dma_start3A_209 = arith.constant 0 : i32
              %dma_start3A_210 = tpu.memref_slice %arg4[%run_scoped3A, %sub3A_203, %dma_start3A_209] : memref<2x64x128xi32, #tpu.memory_space<hbm>> -> memref<1x16x128xi32, #tpu.memory_space<hbm>>
              %dma_start3A_211 = tpu.memref_squeeze %dma_start3A_210 : memref<1x16x128xi32, #tpu.memory_space<hbm>> -> memref<16x128xi32, #tpu.memory_space<hbm>>
              %dma_start3A_212 = arith.constant 0 : i32
              %dma_start3A_213 = arith.constant 0 : i32
              %dma_start3A_214 = tpu.memref_slice %arg7[%rem3A_191, %dma_start3A_212, %dma_start3A_213] : memref<2x16x128xi32, #tpu.memory_space<vmem>> -> memref<1x16x128xi32, #tpu.memory_space<vmem>>
              %dma_start3A_215 = tpu.memref_squeeze %dma_start3A_214 : memref<1x16x128xi32, #tpu.memory_space<vmem>> -> memref<16x128xi32, #tpu.memory_space<vmem>>
              %dma_start3A_216 = arith.constant 0 : i32
              %dma_start3A_217 = tpu.memref_slice %arg4[%run_scoped3A, %sub3A_203, %dma_start3A_216] : memref<2x64x128xi32, #tpu.memory_space<hbm>> -> memref<1x16x128xi32, #tpu.memory_space<hbm>>
              %dma_start3A_218 = tpu.memref_squeeze %dma_start3A_217 : memref<1x16x128xi32, #tpu.memory_space<hbm>> -> memref<16x128xi32, #tpu.memory_space<hbm>>
              tpu.enqueue_dma source(%dma_start3A_218 : memref<16x128xi32, #tpu.memory_space<hbm>>) target(%dma_start3A_215 : memref<16x128xi32, #tpu.memory_space<vmem>>) target_semaphore(%run_scoped3A_204 : memref<!tpu.dma_semaphore, #tpu.memory_space<semaphore_mem>>)
              %dma_wait3A_219 = arith.constant 0 : i32
              %dma_wait3A_220 = arith.constant 0 : i32
              %dma_wait3A_221 = tpu.memref_slice %arg7[%rem3A_191, %dma_wait3A_219, %dma_wait3A_220] : memref<2x16x128xi32, #tpu.memory_space<vmem>> -> memref<1x16x128xi32, #tpu.memory_space<vmem>>
              %dma_wait3A_222 = tpu.memref_squeeze %dma_wait3A_221 : memref<1x16x128xi32, #tpu.memory_space<vmem>> -> memref<16x128xi32, #tpu.memory_space<vmem>>
              %dma_wait3A_223 = arith.constant 0 : i32
              %dma_wait3A_224 = tpu.memref_slice %arg4[%run_scoped3A, %sub3A_203, %dma_wait3A_223] : memref<2x64x128xi32, #tpu.memory_space<hbm>> -> memref<1x16x128xi32, #tpu.memory_space<hbm>>
              %dma_wait3A_225 = tpu.memref_squeeze %dma_wait3A_224 : memref<1x16x128xi32, #tpu.memory_space<hbm>> -> memref<16x128xi32, #tpu.memory_space<hbm>>
              %dma_wait3A_226 = arith.constant 0 : i32
              %dma_wait3A_227 = arith.constant 0 : i32
              %dma_wait3A_228 = tpu.memref_slice %arg7[%rem3A_191, %dma_wait3A_226, %dma_wait3A_227] : memref<2x16x128xi32, #tpu.memory_space<vmem>> -> memref<1x16x128xi32, #tpu.memory_space<vmem>>
              %dma_wait3A_229 = tpu.memref_squeeze %dma_wait3A_228 : memref<1x16x128xi32, #tpu.memory_space<vmem>> -> memref<16x128xi32, #tpu.memory_space<vmem>>
              %dma_wait3A_230 = arith.constant 0 : i32
              %dma_wait3A_231 = tpu.memref_slice %arg4[%run_scoped3A, %sub3A_203, %dma_wait3A_230] : memref<2x64x128xi32, #tpu.memory_space<hbm>> -> memref<1x16x128xi32, #tpu.memory_space<hbm>>
              %dma_wait3A_232 = tpu.memref_squeeze %dma_wait3A_231 : memref<1x16x128xi32, #tpu.memory_space<hbm>> -> memref<16x128xi32, #tpu.memory_space<hbm>>
              tpu.wait_dma2 semaphore(%run_scoped3A_204 : memref<!tpu.dma_semaphore, #tpu.memory_space<semaphore_mem>>) src(%dma_wait3A_232 : memref<16x128xi32, #tpu.memory_space<hbm>>) dst(%dma_wait3A_229 : memref<16x128xi32, #tpu.memory_space<vmem>>)
              tpu.yield
            }) : () -> ()
          } else {
          }
        } else {
        }
      } else {
      }
      %add3A_81 = arith.constant 0 : i32
      %add3A_82 = arith.addi %mul3A_57, %add3A_81 : i32
      %jit3A_83 = arith.constant 16 : i32
      %div3A_84 = arith.divsi %add3A_82, %jit3A_83 : i32
      %sign3A_85 = arith.constant 0 : i32
      %sign3A_86 = arith.cmpi sgt, %add3A_82, %sign3A_85 : i32
      %sign3A_87 = arith.extui %sign3A_86 : i1 to i32
      %sign3A_88 = arith.constant 0 : i32
      %sign3A_89 = arith.cmpi slt, %add3A_82, %sign3A_88 : i32
      %sign3A_90 = arith.extui %sign3A_89 : i1 to i32
      %sign3A_91 = arith.subi %sign3A_87, %sign3A_90 : i32
      %sign3A_92 = arith.constant 0 : i32
      %sign3A_93 = arith.cmpi sgt, %jit3A_83, %sign3A_92 : i32
      %sign3A_94 = arith.extui %sign3A_93 : i1 to i32
      %sign3A_95 = arith.constant 0 : i32
      %sign3A_96 = arith.cmpi slt, %jit3A_83, %sign3A_95 : i32
      %sign3A_97 = arith.extui %sign3A_96 : i1 to i32
      %sign3A_98 = arith.subi %sign3A_94, %sign3A_97 : i32
      %ne3A_99 = arith.cmpi ne, %sign3A_91, %sign3A_98 : i32
      %rem3A_100 = arith.remsi %add3A_82, %jit3A_83 : i32
      %ne3A_101 = arith.constant 0 : i32
      %ne3A_102 = arith.cmpi ne, %rem3A_100, %ne3A_101 : i32
      %and3A_103 = arith.andi %ne3A_99, %ne3A_102 : i1
      %sub3A_104 = arith.constant 1 : i32
      %sub3A_105 = arith.subi %div3A_84, %sub3A_104 : i32
      %select_n3A_106 = arith.select %and3A_103, %sub3A_105, %div3A_84 : i32
      %rem3A_107 = arith.constant 2 : i32
      %rem3A_108 = arith.remsi %select_n3A_106, %rem3A_107 : i32
      %rem3A_109 = arith.constant 16 : i32
      %rem3A_110 = arith.remsi %add3A_82, %rem3A_109 : i32
      %dma_wait3A = arith.constant 0 : i32
      %dma_wait3A_111 = tpu.memref_slice %arg7[%rem3A_108, %rem3A_110, %dma_wait3A] : memref<2x16x128xi32, #tpu.memory_space<vmem>> -> memref<1x1x128xi32, #tpu.memory_space<vmem>>
      %dma_wait3A_112 = tpu.memref_squeeze %dma_wait3A_111 : memref<1x1x128xi32, #tpu.memory_space<vmem>> -> memref<128xi32, #tpu.memory_space<vmem>>
      %dma_wait3A_113 = arith.constant 0 : i32
      %dma_wait3A_114 = arith.constant 0 : i32
      %dma_wait3A_115 = tpu.memref_slice %arg2[%dma_wait3A_113, %dma_wait3A_114] : memref<10240x128xf32, #tpu.memory_space<hbm>> -> memref<10240x128xf32, #tpu.memory_space<hbm>>
      tpu.wait_indirect_dma semaphore(%arg11 : memref<!tpu.dma_semaphore, #tpu.memory_space<semaphore_mem>>) src(%dma_wait3A_115 : memref<10240x128xf32, #tpu.memory_space<hbm>>) dst(%arg9 : memref<128x128xf32, #tpu.memory_space<vmem>>)
      %rem3A_116 = arith.constant 16 : i32
      %rem3A_117 = arith.remsi %add3A_82, %rem3A_116 : i32
      "tpu.region"() ({
        %run_scoped3A = tpu.sem_alloc : memref<!tpu.dma_semaphore, #tpu.memory_space<semaphore_mem>>
        %dma_start3A_170 = arith.constant 0 : i32
        %dma_start3A_171 = tpu.memref_slice %arg8[%rem3A_117, %dma_start3A_170] : memref<16x128xi32, #tpu.memory_space<vmem>> -> memref<1x128xi32, #tpu.memory_space<vmem>>
        %dma_start3A_172 = tpu.memref_squeeze %dma_start3A_171 : memref<1x128xi32, #tpu.memory_space<vmem>> -> memref<128xi32, #tpu.memory_space<vmem>>
        %dma_start3A_173 = arith.constant 0 : i32
        %dma_start3A_174 = arith.constant 0 : i32
        %dma_start3A_175 = tpu.memref_slice %arg13[%dma_start3A_173, %dma_start3A_174] : memref<10240x128xf32, #tpu.memory_space<vmem_shared>> -> memref<10240x128xf32, #tpu.memory_space<vmem_shared>>
        tpu.enqueue_indirect_dma source(%arg9 : memref<128x128xf32, #tpu.memory_space<vmem>>) target(%dma_start3A_175 : memref<10240x128xf32, #tpu.memory_space<vmem_shared>>) offsets(%dma_start3A_172 : memref<128xi32, #tpu.memory_space<vmem>>) semaphore(%run_scoped3A : memref<!tpu.dma_semaphore, #tpu.memory_space<semaphore_mem>>) {add = true}
        %dma_wait3A_176 = arith.constant 0 : i32
        %dma_wait3A_177 = tpu.memref_slice %arg8[%rem3A_117, %dma_wait3A_176] : memref<16x128xi32, #tpu.memory_space<vmem>> -> memref<1x128xi32, #tpu.memory_space<vmem>>
        %dma_wait3A_178 = tpu.memref_squeeze %dma_wait3A_177 : memref<1x128xi32, #tpu.memory_space<vmem>> -> memref<128xi32, #tpu.memory_space<vmem>>
        %dma_wait3A_179 = arith.constant 0 : i32
        %dma_wait3A_180 = arith.constant 0 : i32
        %dma_wait3A_181 = tpu.memref_slice %arg13[%dma_wait3A_179, %dma_wait3A_180] : memref<10240x128xf32, #tpu.memory_space<vmem_shared>> -> memref<10240x128xf32, #tpu.memory_space<vmem_shared>>
        tpu.wait_indirect_dma semaphore(%run_scoped3A : memref<!tpu.dma_semaphore, #tpu.memory_space<semaphore_mem>>) src(%arg9 : memref<128x128xf32, #tpu.memory_space<vmem>>) dst(%dma_wait3A_181 : memref<10240x128xf32, #tpu.memory_space<vmem_shared>>)
        tpu.yield
      }) : () -> ()
      %add3A_118 = arith.constant 2 : i32
      %add3A_119 = arith.addi %add3A_82, %add3A_118 : i32
      %lt3A_120 = arith.constant 80 : i32
      %lt3A_121 = arith.cmpi slt, %add3A_119, %lt3A_120 : i32
      %convert_element_type3A_122 = arith.extui %lt3A_121 : i1 to i32
      %cond3A_123 = arith.constant 0 : i32
      %cond3A_124 = arith.cmpi ne, %convert_element_type3A_122, %cond3A_123 : i32
      scf.if %cond3A_124 {
        %add3A_170 = arith.constant 2 : i32
        %add3A_171 = arith.addi %add3A_82, %add3A_170 : i32
        %jit3A_172 = arith.constant 16 : i32
        %div3A_173 = arith.divsi %add3A_171, %jit3A_172 : i32
        %sign3A_174 = arith.constant 0 : i32
        %sign3A_175 = arith.cmpi sgt, %add3A_171, %sign3A_174 : i32
        %sign3A_176 = arith.extui %sign3A_175 : i1 to i32
        %sign3A_177 = arith.constant 0 : i32
        %sign3A_178 = arith.cmpi slt, %add3A_171, %sign3A_177 : i32
        %sign3A_179 = arith.extui %sign3A_178 : i1 to i32
        %sign3A_180 = arith.subi %sign3A_176, %sign3A_179 : i32
        %sign3A_181 = arith.constant 0 : i32
        %sign3A_182 = arith.cmpi sgt, %jit3A_172, %sign3A_181 : i32
        %sign3A_183 = arith.extui %sign3A_182 : i1 to i32
        %sign3A_184 = arith.constant 0 : i32
        %sign3A_185 = arith.cmpi slt, %jit3A_172, %sign3A_184 : i32
        %sign3A_186 = arith.extui %sign3A_185 : i1 to i32
        %sign3A_187 = arith.subi %sign3A_183, %sign3A_186 : i32
        %ne3A_188 = arith.cmpi ne, %sign3A_180, %sign3A_187 : i32
        %rem3A_189 = arith.remsi %add3A_171, %jit3A_172 : i32
        %ne3A_190 = arith.constant 0 : i32
        %ne3A_191 = arith.cmpi ne, %rem3A_189, %ne3A_190 : i32
        %and3A_192 = arith.andi %ne3A_188, %ne3A_191 : i1
        %sub3A_193 = arith.constant 1 : i32
        %sub3A_194 = arith.subi %div3A_173, %sub3A_193 : i32
        %select_n3A_195 = arith.select %and3A_192, %sub3A_194, %div3A_173 : i32
        %rem3A_196 = arith.constant 2 : i32
        %rem3A_197 = arith.remsi %select_n3A_195, %rem3A_196 : i32
        %rem3A_198 = arith.constant 16 : i32
        %rem3A_199 = arith.remsi %add3A_171, %rem3A_198 : i32
        %dma_start3A_200 = arith.constant 0 : i32
        %dma_start3A_201 = tpu.memref_slice %arg7[%rem3A_197, %rem3A_199, %dma_start3A_200] : memref<2x16x128xi32, #tpu.memory_space<vmem>> -> memref<1x1x128xi32, #tpu.memory_space<vmem>>
        %dma_start3A_202 = tpu.memref_squeeze %dma_start3A_201 : memref<1x1x128xi32, #tpu.memory_space<vmem>> -> memref<128xi32, #tpu.memory_space<vmem>>
        %dma_start3A_203 = arith.constant 0 : i32
        %dma_start3A_204 = arith.constant 0 : i32
        %dma_start3A_205 = tpu.memref_slice %arg2[%dma_start3A_203, %dma_start3A_204] : memref<10240x128xf32, #tpu.memory_space<hbm>> -> memref<10240x128xf32, #tpu.memory_space<hbm>>
        tpu.enqueue_indirect_dma source(%dma_start3A_205 : memref<10240x128xf32, #tpu.memory_space<hbm>>) target(%arg9 : memref<128x128xf32, #tpu.memory_space<vmem>>) offsets(%dma_start3A_202 : memref<128xi32, #tpu.memory_space<vmem>>) semaphore(%arg11 : memref<!tpu.dma_semaphore, #tpu.memory_space<semaphore_mem>>)
      } else {
      }
      %add3A_125 = arith.constant 1 : i32
      %add3A_126 = arith.addi %mul3A_57, %add3A_125 : i32
      %jit3A_127 = arith.constant 16 : i32
      %div3A_128 = arith.divsi %add3A_126, %jit3A_127 : i32
      %sign3A_129 = arith.constant 0 : i32
      %sign3A_130 = arith.cmpi sgt, %add3A_126, %sign3A_129 : i32
      %sign3A_131 = arith.extui %sign3A_130 : i1 to i32
      %sign3A_132 = arith.constant 0 : i32
      %sign3A_133 = arith.cmpi slt, %add3A_126, %sign3A_132 : i32
      %sign3A_134 = arith.extui %sign3A_133 : i1 to i32
      %sign3A_135 = arith.subi %sign3A_131, %sign3A_134 : i32
      %sign3A_136 = arith.constant 0 : i32
      %sign3A_137 = arith.cmpi sgt, %jit3A_127, %sign3A_136 : i32
      %sign3A_138 = arith.extui %sign3A_137 : i1 to i32
      %sign3A_139 = arith.constant 0 : i32
      %sign3A_140 = arith.cmpi slt, %jit3A_127, %sign3A_139 : i32
      %sign3A_141 = arith.extui %sign3A_140 : i1 to i32
      %sign3A_142 = arith.subi %sign3A_138, %sign3A_141 : i32
      %ne3A_143 = arith.cmpi ne, %sign3A_135, %sign3A_142 : i32
      %rem3A_144 = arith.remsi %add3A_126, %jit3A_127 : i32
      %ne3A_145 = arith.constant 0 : i32
      %ne3A_146 = arith.cmpi ne, %rem3A_144, %ne3A_145 : i32
      %and3A_147 = arith.andi %ne3A_143, %ne3A_146 : i1
      %sub3A_148 = arith.constant 1 : i32
      %sub3A_149 = arith.subi %div3A_128, %sub3A_148 : i32
      %select_n3A_150 = arith.select %and3A_147, %sub3A_149, %div3A_128 : i32
      %rem3A_151 = arith.constant 2 : i32
      %rem3A_152 = arith.remsi %select_n3A_150, %rem3A_151 : i32
      %rem3A_153 = arith.constant 16 : i32
      %rem3A_154 = arith.remsi %add3A_126, %rem3A_153 : i32
      %dma_wait3A_155 = arith.constant 0 : i32
      %dma_wait3A_156 = tpu.memref_slice %arg7[%rem3A_152, %rem3A_154, %dma_wait3A_155] : memref<2x16x128xi32, #tpu.memory_space<vmem>> -> memref<1x1x128xi32, #tpu.memory_space<vmem>>
      %dma_wait3A_157 = tpu.memref_squeeze %dma_wait3A_156 : memref<1x1x128xi32, #tpu.memory_space<vmem>> -> memref<128xi32, #tpu.memory_space<vmem>>
      %dma_wait3A_158 = arith.constant 0 : i32
      %dma_wait3A_159 = arith.constant 0 : i32
      %dma_wait3A_160 = tpu.memref_slice %arg2[%dma_wait3A_158, %dma_wait3A_159] : memref<10240x128xf32, #tpu.memory_space<hbm>> -> memref<10240x128xf32, #tpu.memory_space<hbm>>
      tpu.wait_indirect_dma semaphore(%arg12 : memref<!tpu.dma_semaphore, #tpu.memory_space<semaphore_mem>>) src(%dma_wait3A_160 : memref<10240x128xf32, #tpu.memory_space<hbm>>) dst(%arg10 : memref<128x128xf32, #tpu.memory_space<vmem>>)
      %rem3A_161 = arith.constant 16 : i32
      %rem3A_162 = arith.remsi %add3A_126, %rem3A_161 : i32
      "tpu.region"() ({
        %run_scoped3A = tpu.sem_alloc : memref<!tpu.dma_semaphore, #tpu.memory_space<semaphore_mem>>
        %dma_start3A_170 = arith.constant 0 : i32
        %dma_start3A_171 = tpu.memref_slice %arg8[%rem3A_162, %dma_start3A_170] : memref<16x128xi32, #tpu.memory_space<vmem>> -> memref<1x128xi32, #tpu.memory_space<vmem>>
        %dma_start3A_172 = tpu.memref_squeeze %dma_start3A_171 : memref<1x128xi32, #tpu.memory_space<vmem>> -> memref<128xi32, #tpu.memory_space<vmem>>
        %dma_start3A_173 = arith.constant 0 : i32
        %dma_start3A_174 = arith.constant 0 : i32
        %dma_start3A_175 = tpu.memref_slice %arg13[%dma_start3A_173, %dma_start3A_174] : memref<10240x128xf32, #tpu.memory_space<vmem_shared>> -> memref<10240x128xf32, #tpu.memory_space<vmem_shared>>
        tpu.enqueue_indirect_dma source(%arg10 : memref<128x128xf32, #tpu.memory_space<vmem>>) target(%dma_start3A_175 : memref<10240x128xf32, #tpu.memory_space<vmem_shared>>) offsets(%dma_start3A_172 : memref<128xi32, #tpu.memory_space<vmem>>) semaphore(%run_scoped3A : memref<!tpu.dma_semaphore, #tpu.memory_space<semaphore_mem>>) {add = true}
        %dma_wait3A_176 = arith.constant 0 : i32
        %dma_wait3A_177 = tpu.memref_slice %arg8[%rem3A_162, %dma_wait3A_176] : memref<16x128xi32, #tpu.memory_space<vmem>> -> memref<1x128xi32, #tpu.memory_space<vmem>>
        %dma_wait3A_178 = tpu.memref_squeeze %dma_wait3A_177 : memref<1x128xi32, #tpu.memory_space<vmem>> -> memref<128xi32, #tpu.memory_space<vmem>>
        %dma_wait3A_179 = arith.constant 0 : i32
        %dma_wait3A_180 = arith.constant 0 : i32
        %dma_wait3A_181 = tpu.memref_slice %arg13[%dma_wait3A_179, %dma_wait3A_180] : memref<10240x128xf32, #tpu.memory_space<vmem_shared>> -> memref<10240x128xf32, #tpu.memory_space<vmem_shared>>
        tpu.wait_indirect_dma semaphore(%run_scoped3A : memref<!tpu.dma_semaphore, #tpu.memory_space<semaphore_mem>>) src(%arg10 : memref<128x128xf32, #tpu.memory_space<vmem>>) dst(%dma_wait3A_181 : memref<10240x128xf32, #tpu.memory_space<vmem_shared>>)
        tpu.yield
      }) : () -> ()
      %add3A_163 = arith.constant 2 : i32
      %add3A_164 = arith.addi %add3A_126, %add3A_163 : i32
      %lt3A_165 = arith.constant 80 : i32
      %lt3A_166 = arith.cmpi slt, %add3A_164, %lt3A_165 : i32
      %convert_element_type3A_167 = arith.extui %lt3A_166 : i1 to i32
      %cond3A_168 = arith.constant 0 : i32
      %cond3A_169 = arith.cmpi ne, %convert_element_type3A_167, %cond3A_168 : i32
      scf.if %cond3A_169 {
        %add3A_170 = arith.constant 2 : i32
        %add3A_171 = arith.addi %add3A_126, %add3A_170 : i32
        %jit3A_172 = arith.constant 16 : i32
        %div3A_173 = arith.divsi %add3A_171, %jit3A_172 : i32
        %sign3A_174 = arith.constant 0 : i32
        %sign3A_175 = arith.cmpi sgt, %add3A_171, %sign3A_174 : i32
        %sign3A_176 = arith.extui %sign3A_175 : i1 to i32
        %sign3A_177 = arith.constant 0 : i32
        %sign3A_178 = arith.cmpi slt, %add3A_171, %sign3A_177 : i32
        %sign3A_179 = arith.extui %sign3A_178 : i1 to i32
        %sign3A_180 = arith.subi %sign3A_176, %sign3A_179 : i32
        %sign3A_181 = arith.constant 0 : i32
        %sign3A_182 = arith.cmpi sgt, %jit3A_172, %sign3A_181 : i32
        %sign3A_183 = arith.extui %sign3A_182 : i1 to i32
        %sign3A_184 = arith.constant 0 : i32
        %sign3A_185 = arith.cmpi slt, %jit3A_172, %sign3A_184 : i32
        %sign3A_186 = arith.extui %sign3A_185 : i1 to i32
        %sign3A_187 = arith.subi %sign3A_183, %sign3A_186 : i32
        %ne3A_188 = arith.cmpi ne, %sign3A_180, %sign3A_187 : i32
        %rem3A_189 = arith.remsi %add3A_171, %jit3A_172 : i32
        %ne3A_190 = arith.constant 0 : i32
        %ne3A_191 = arith.cmpi ne, %rem3A_189, %ne3A_190 : i32
        %and3A_192 = arith.andi %ne3A_188, %ne3A_191 : i1
        %sub3A_193 = arith.constant 1 : i32
        %sub3A_194 = arith.subi %div3A_173, %sub3A_193 : i32
        %select_n3A_195 = arith.select %and3A_192, %sub3A_194, %div3A_173 : i32
        %rem3A_196 = arith.constant 2 : i32
        %rem3A_197 = arith.remsi %select_n3A_195, %rem3A_196 : i32
        %rem3A_198 = arith.constant 16 : i32
        %rem3A_199 = arith.remsi %add3A_171, %rem3A_198 : i32
        %dma_start3A_200 = arith.constant 0 : i32
        %dma_start3A_201 = tpu.memref_slice %arg7[%rem3A_197, %rem3A_199, %dma_start3A_200] : memref<2x16x128xi32, #tpu.memory_space<vmem>> -> memref<1x1x128xi32, #tpu.memory_space<vmem>>
        %dma_start3A_202 = tpu.memref_squeeze %dma_start3A_201 : memref<1x1x128xi32, #tpu.memory_space<vmem>> -> memref<128xi32, #tpu.memory_space<vmem>>
        %dma_start3A_203 = arith.constant 0 : i32
        %dma_start3A_204 = arith.constant 0 : i32
        %dma_start3A_205 = tpu.memref_slice %arg2[%dma_start3A_203, %dma_start3A_204] : memref<10240x128xf32, #tpu.memory_space<hbm>> -> memref<10240x128xf32, #tpu.memory_space<hbm>>
        tpu.enqueue_indirect_dma source(%dma_start3A_205 : memref<10240x128xf32, #tpu.memory_space<hbm>>) target(%arg10 : memref<128x128xf32, #tpu.memory_space<vmem>>) offsets(%dma_start3A_202 : memref<128xi32, #tpu.memory_space<vmem>>) semaphore(%arg12 : memref<!tpu.dma_semaphore, #tpu.memory_space<semaphore_mem>>)
      } else {
      }
    }
    %scan3A_49 = arith.constant 40 : i32
    %barrier3A_50 = arith.constant 0 : index
    tpu.barrier barrier_id(%barrier3A_50)
    %mul3A_51 = arith.constant 640 : i32
    %mul3A_52 = arith.muli %arg1, %mul3A_51 : i32
    %mul3A_53 = arith.constant 640 : i32
    %mul3A_54 = arith.muli %arg1, %mul3A_53 : i32
    "tpu.region"() ({
      %run_scoped3A = tpu.sem_alloc : memref<!tpu.dma_semaphore, #tpu.memory_space<semaphore_mem>>
      %dma_start3A_55 = arith.constant 0 : i32
      %dma_start3A_56 = tpu.memref_slice %arg6[%arg0, %mul3A_54, %dma_start3A_55] : memref<2x10240x128xf32, #tpu.memory_space<hbm>> -> memref<1x640x128xf32, #tpu.memory_space<hbm>>
      %dma_start3A_57 = tpu.memref_squeeze %dma_start3A_56 : memref<1x640x128xf32, #tpu.memory_space<hbm>> -> memref<640x128xf32, #tpu.memory_space<hbm>>
      %dma_start3A_58 = arith.constant 0 : i32
      %dma_start3A_59 = tpu.memref_slice %arg13[%mul3A_52, %dma_start3A_58] : memref<10240x128xf32, #tpu.memory_space<vmem_shared>> -> memref<640x128xf32, #tpu.memory_space<vmem_shared>>
      tpu.enqueue_dma source(%dma_start3A_59 : memref<640x128xf32, #tpu.memory_space<vmem_shared>>) target(%dma_start3A_57 : memref<640x128xf32, #tpu.memory_space<hbm>>) target_semaphore(%run_scoped3A : memref<!tpu.dma_semaphore, #tpu.memory_space<semaphore_mem>>)
      %dma_wait3A = arith.constant 0 : i32
      %dma_wait3A_60 = tpu.memref_slice %arg6[%arg0, %mul3A_54, %dma_wait3A] : memref<2x10240x128xf32, #tpu.memory_space<hbm>> -> memref<1x640x128xf32, #tpu.memory_space<hbm>>
      %dma_wait3A_61 = tpu.memref_squeeze %dma_wait3A_60 : memref<1x640x128xf32, #tpu.memory_space<hbm>> -> memref<640x128xf32, #tpu.memory_space<hbm>>
      %dma_wait3A_62 = arith.constant 0 : i32
      %dma_wait3A_63 = tpu.memref_slice %arg13[%mul3A_52, %dma_wait3A_62] : memref<10240x128xf32, #tpu.memory_space<vmem_shared>> -> memref<640x128xf32, #tpu.memory_space<vmem_shared>>
      tpu.wait_dma2 semaphore(%run_scoped3A : memref<!tpu.dma_semaphore, #tpu.memory_space<semaphore_mem>>) src(%dma_wait3A_63 : memref<640x128xf32, #tpu.memory_space<vmem_shared>>) dst(%dma_wait3A_61 : memref<640x128xf32, #tpu.memory_space<hbm>>)
      tpu.yield
    }) : () -> ()
    return
  }
}

#map = affine_map<(d0, d1) -> (0, 0, 0)>
#map1 = affine_map<(d0, d1) -> (0)>
module attributes {stable_mosaic.version = 14 : i64} {
  func.func @deg_kernel(%arg0: i32, %arg1: i32, %arg2: memref<2x2500x128xi32, #tpu.memory_space<hbm>>, %arg3: memref<2x64x128xi32, #tpu.memory_space<hbm>>, %arg4: memref<128xf32, #tpu.memory_space<hbm>>, %arg5: memref<640xf32, #tpu.memory_space<hbm>>, %arg6: memref<20480xf32, #tpu.memory_space<hbm>>, %arg7: memref<80x128xi32, #tpu.memory_space<vmem>>, %arg8: memref<128xf32, #tpu.memory_space<vmem>>, %arg9: memref<10240xf32, #tpu.memory_space<vmem_shared>>) attributes {dimension_semantics = [#tpu.dimension_semantics<core_parallel>, #tpu.dimension_semantics<subcore_parallel>], iteration_bounds = array<i64: 2, 16>, scalar_prefetch = 0 : i64, scratch_operands = 3 : i64, tpu.core_type = #tpu.core_type<sc_vector_subcore>, window_params = [{transform_indices = #map}, {transform_indices = #map}, {transform_indices = #map1}, {transform_indices = #map1}, {transform_indices = #map1}]} {
    %mul3A = arith.constant 16 : i32
    %mul3A_0 = arith.muli %arg0, %mul3A : i32
    %add3A = arith.addi %mul3A_0, %arg1 : i32
    %mul3A_1 = arith.constant 640 : i32
    %mul3A_2 = arith.muli %arg1, %mul3A_1 : i32
    "tpu.region"() ({
      %run_scoped3A = tpu.sem_alloc : memref<!tpu.dma_semaphore, #tpu.memory_space<semaphore_mem>>
      %dma_start3A = tpu.memref_slice %arg9[%mul3A_2] : memref<10240xf32, #tpu.memory_space<vmem_shared>> -> memref<640xf32, #tpu.memory_space<vmem_shared>>
      tpu.enqueue_dma source(%arg5 : memref<640xf32, #tpu.memory_space<hbm>>) target(%dma_start3A : memref<640xf32, #tpu.memory_space<vmem_shared>>) target_semaphore(%run_scoped3A : memref<!tpu.dma_semaphore, #tpu.memory_space<semaphore_mem>>)
      %dma_wait3A = tpu.memref_slice %arg9[%mul3A_2] : memref<10240xf32, #tpu.memory_space<vmem_shared>> -> memref<640xf32, #tpu.memory_space<vmem_shared>>
      tpu.wait_dma2 semaphore(%run_scoped3A : memref<!tpu.dma_semaphore, #tpu.memory_space<semaphore_mem>>) src(%arg5 : memref<640xf32, #tpu.memory_space<hbm>>) dst(%dma_wait3A : memref<640xf32, #tpu.memory_space<vmem_shared>>)
      tpu.yield
    }) : () -> ()
    "tpu.region"() ({
      %run_scoped3A = tpu.sem_alloc : memref<!tpu.dma_semaphore, #tpu.memory_space<semaphore_mem>>
      tpu.enqueue_dma source(%arg4 : memref<128xf32, #tpu.memory_space<hbm>>) target(%arg8 : memref<128xf32, #tpu.memory_space<vmem>>) target_semaphore(%run_scoped3A : memref<!tpu.dma_semaphore, #tpu.memory_space<semaphore_mem>>)
      tpu.wait_dma2 semaphore(%run_scoped3A : memref<!tpu.dma_semaphore, #tpu.memory_space<semaphore_mem>>) src(%arg4 : memref<128xf32, #tpu.memory_space<hbm>>) dst(%arg8 : memref<128xf32, #tpu.memory_space<vmem>>)
      tpu.yield
    }) : () -> ()
    %lt3A = arith.constant 31 : i32
    %lt3A_3 = arith.cmpi slt, %add3A, %lt3A : i32
    %convert_element_type3A = arith.extui %lt3A_3 : i1 to i32
    %cond3A = arith.constant 0 : i32
    %cond3A_4 = arith.cmpi ne, %convert_element_type3A, %cond3A : i32
    scf.if %cond3A_4 {
      %mul3A_26 = arith.constant 80 : i32
      %mul3A_27 = arith.muli %add3A, %mul3A_26 : i32
      %run_scoped3A = arith.constant 1 : i32
      "tpu.region"() ({
        %run_scoped3A_28 = tpu.sem_alloc : memref<!tpu.dma_semaphore, #tpu.memory_space<semaphore_mem>>
        %dma_start3A = arith.constant 0 : i32
        %dma_start3A_29 = tpu.memref_slice %arg2[%run_scoped3A, %mul3A_27, %dma_start3A] : memref<2x2500x128xi32, #tpu.memory_space<hbm>> -> memref<1x80x128xi32, #tpu.memory_space<hbm>>
        %dma_start3A_30 = tpu.memref_squeeze %dma_start3A_29 : memref<1x80x128xi32, #tpu.memory_space<hbm>> -> memref<80x128xi32, #tpu.memory_space<hbm>>
        %dma_start3A_31 = arith.constant 0 : i32
        %dma_start3A_32 = tpu.memref_slice %arg2[%run_scoped3A, %mul3A_27, %dma_start3A_31] : memref<2x2500x128xi32, #tpu.memory_space<hbm>> -> memref<1x80x128xi32, #tpu.memory_space<hbm>>
        %dma_start3A_33 = tpu.memref_squeeze %dma_start3A_32 : memref<1x80x128xi32, #tpu.memory_space<hbm>> -> memref<80x128xi32, #tpu.memory_space<hbm>>
        tpu.enqueue_dma source(%dma_start3A_33 : memref<80x128xi32, #tpu.memory_space<hbm>>) target(%arg7 : memref<80x128xi32, #tpu.memory_space<vmem>>) target_semaphore(%run_scoped3A_28 : memref<!tpu.dma_semaphore, #tpu.memory_space<semaphore_mem>>)
        %dma_wait3A = arith.constant 0 : i32
        %dma_wait3A_34 = tpu.memref_slice %arg2[%run_scoped3A, %mul3A_27, %dma_wait3A] : memref<2x2500x128xi32, #tpu.memory_space<hbm>> -> memref<1x80x128xi32, #tpu.memory_space<hbm>>
        %dma_wait3A_35 = tpu.memref_squeeze %dma_wait3A_34 : memref<1x80x128xi32, #tpu.memory_space<hbm>> -> memref<80x128xi32, #tpu.memory_space<hbm>>
        %dma_wait3A_36 = arith.constant 0 : i32
        %dma_wait3A_37 = tpu.memref_slice %arg2[%run_scoped3A, %mul3A_27, %dma_wait3A_36] : memref<2x2500x128xi32, #tpu.memory_space<hbm>> -> memref<1x80x128xi32, #tpu.memory_space<hbm>>
        %dma_wait3A_38 = tpu.memref_squeeze %dma_wait3A_37 : memref<1x80x128xi32, #tpu.memory_space<hbm>> -> memref<80x128xi32, #tpu.memory_space<hbm>>
        tpu.wait_dma2 semaphore(%run_scoped3A_28 : memref<!tpu.dma_semaphore, #tpu.memory_space<semaphore_mem>>) src(%dma_wait3A_38 : memref<80x128xi32, #tpu.memory_space<hbm>>) dst(%arg7 : memref<80x128xi32, #tpu.memory_space<vmem>>)
        tpu.yield
      }) : () -> ()
    } else {
    }
    %eq3A = arith.constant 31 : i32
    %eq3A_5 = arith.cmpi eq, %add3A, %eq3A : i32
    %convert_element_type3A_6 = arith.extui %eq3A_5 : i1 to i32
    %cond3A_7 = arith.constant 0 : i32
    %cond3A_8 = arith.cmpi ne, %convert_element_type3A_6, %cond3A_7 : i32
    scf.if %cond3A_8 {
      %run_scoped3A = arith.constant 1 : i32
      "tpu.region"() ({
        %run_scoped3A_27 = tpu.sem_alloc : memref<!tpu.dma_semaphore, #tpu.memory_space<semaphore_mem>>
        %dma_start3A = arith.constant 0 : i32
        %dma_start3A_28 = arith.constant 0 : i32
        %dma_start3A_29 = tpu.memref_slice %arg7[%dma_start3A, %dma_start3A_28] : memref<80x128xi32, #tpu.memory_space<vmem>> -> memref<16x128xi32, #tpu.memory_space<vmem>>
        %dma_start3A_30 = arith.constant 2480 : i32
        %dma_start3A_31 = arith.constant 0 : i32
        %dma_start3A_32 = tpu.memref_slice %arg2[%run_scoped3A, %dma_start3A_30, %dma_start3A_31] : memref<2x2500x128xi32, #tpu.memory_space<hbm>> -> memref<1x16x128xi32, #tpu.memory_space<hbm>>
        %dma_start3A_33 = tpu.memref_squeeze %dma_start3A_32 : memref<1x16x128xi32, #tpu.memory_space<hbm>> -> memref<16x128xi32, #tpu.memory_space<hbm>>
        %dma_start3A_34 = arith.constant 0 : i32
        %dma_start3A_35 = arith.constant 0 : i32
        %dma_start3A_36 = tpu.memref_slice %arg7[%dma_start3A_34, %dma_start3A_35] : memref<80x128xi32, #tpu.memory_space<vmem>> -> memref<16x128xi32, #tpu.memory_space<vmem>>
        %dma_start3A_37 = arith.constant 2480 : i32
        %dma_start3A_38 = arith.constant 0 : i32
        %dma_start3A_39 = tpu.memref_slice %arg2[%run_scoped3A, %dma_start3A_37, %dma_start3A_38] : memref<2x2500x128xi32, #tpu.memory_space<hbm>> -> memref<1x16x128xi32, #tpu.memory_space<hbm>>
        %dma_start3A_40 = tpu.memref_squeeze %dma_start3A_39 : memref<1x16x128xi32, #tpu.memory_space<hbm>> -> memref<16x128xi32, #tpu.memory_space<hbm>>
        tpu.enqueue_dma source(%dma_start3A_40 : memref<16x128xi32, #tpu.memory_space<hbm>>) target(%dma_start3A_36 : memref<16x128xi32, #tpu.memory_space<vmem>>) target_semaphore(%run_scoped3A_27 : memref<!tpu.dma_semaphore, #tpu.memory_space<semaphore_mem>>)
        %dma_wait3A = arith.constant 0 : i32
        %dma_wait3A_41 = arith.constant 0 : i32
        %dma_wait3A_42 = tpu.memref_slice %arg7[%dma_wait3A, %dma_wait3A_41] : memref<80x128xi32, #tpu.memory_space<vmem>> -> memref<16x128xi32, #tpu.memory_space<vmem>>
        %dma_wait3A_43 = arith.constant 2480 : i32
        %dma_wait3A_44 = arith.constant 0 : i32
        %dma_wait3A_45 = tpu.memref_slice %arg2[%run_scoped3A, %dma_wait3A_43, %dma_wait3A_44] : memref<2x2500x128xi32, #tpu.memory_space<hbm>> -> memref<1x16x128xi32, #tpu.memory_space<hbm>>
        %dma_wait3A_46 = tpu.memref_squeeze %dma_wait3A_45 : memref<1x16x128xi32, #tpu.memory_space<hbm>> -> memref<16x128xi32, #tpu.memory_space<hbm>>
        %dma_wait3A_47 = arith.constant 0 : i32
        %dma_wait3A_48 = arith.constant 0 : i32
        %dma_wait3A_49 = tpu.memref_slice %arg7[%dma_wait3A_47, %dma_wait3A_48] : memref<80x128xi32, #tpu.memory_space<vmem>> -> memref<16x128xi32, #tpu.memory_space<vmem>>
        %dma_wait3A_50 = arith.constant 2480 : i32
        %dma_wait3A_51 = arith.constant 0 : i32
        %dma_wait3A_52 = tpu.memref_slice %arg2[%run_scoped3A, %dma_wait3A_50, %dma_wait3A_51] : memref<2x2500x128xi32, #tpu.memory_space<hbm>> -> memref<1x16x128xi32, #tpu.memory_space<hbm>>
        %dma_wait3A_53 = tpu.memref_squeeze %dma_wait3A_52 : memref<1x16x128xi32, #tpu.memory_space<hbm>> -> memref<16x128xi32, #tpu.memory_space<hbm>>
        tpu.wait_dma2 semaphore(%run_scoped3A_27 : memref<!tpu.dma_semaphore, #tpu.memory_space<semaphore_mem>>) src(%dma_wait3A_53 : memref<16x128xi32, #tpu.memory_space<hbm>>) dst(%dma_wait3A_49 : memref<16x128xi32, #tpu.memory_space<vmem>>)
        tpu.yield
      }) : () -> ()
      %run_scoped3A_26 = arith.constant 1 : i32
      "tpu.region"() ({
        %run_scoped3A_27 = tpu.sem_alloc : memref<!tpu.dma_semaphore, #tpu.memory_space<semaphore_mem>>
        %dma_start3A = arith.constant 16 : i32
        %dma_start3A_28 = arith.constant 0 : i32
        %dma_start3A_29 = tpu.memref_slice %arg7[%dma_start3A, %dma_start3A_28] : memref<80x128xi32, #tpu.memory_space<vmem>> -> memref<64x128xi32, #tpu.memory_space<vmem>>
        %dma_start3A_30 = arith.constant 0 : i32
        %dma_start3A_31 = arith.constant 0 : i32
        %dma_start3A_32 = tpu.memref_slice %arg3[%run_scoped3A_26, %dma_start3A_30, %dma_start3A_31] : memref<2x64x128xi32, #tpu.memory_space<hbm>> -> memref<1x64x128xi32, #tpu.memory_space<hbm>>
        %dma_start3A_33 = tpu.memref_squeeze %dma_start3A_32 : memref<1x64x128xi32, #tpu.memory_space<hbm>> -> memref<64x128xi32, #tpu.memory_space<hbm>>
        %dma_start3A_34 = arith.constant 16 : i32
        %dma_start3A_35 = arith.constant 0 : i32
        %dma_start3A_36 = tpu.memref_slice %arg7[%dma_start3A_34, %dma_start3A_35] : memref<80x128xi32, #tpu.memory_space<vmem>> -> memref<64x128xi32, #tpu.memory_space<vmem>>
        %dma_start3A_37 = arith.constant 0 : i32
        %dma_start3A_38 = arith.constant 0 : i32
        %dma_start3A_39 = tpu.memref_slice %arg3[%run_scoped3A_26, %dma_start3A_37, %dma_start3A_38] : memref<2x64x128xi32, #tpu.memory_space<hbm>> -> memref<1x64x128xi32, #tpu.memory_space<hbm>>
        %dma_start3A_40 = tpu.memref_squeeze %dma_start3A_39 : memref<1x64x128xi32, #tpu.memory_space<hbm>> -> memref<64x128xi32, #tpu.memory_space<hbm>>
        tpu.enqueue_dma source(%dma_start3A_40 : memref<64x128xi32, #tpu.memory_space<hbm>>) target(%dma_start3A_36 : memref<64x128xi32, #tpu.memory_space<vmem>>) target_semaphore(%run_scoped3A_27 : memref<!tpu.dma_semaphore, #tpu.memory_space<semaphore_mem>>)
        %dma_wait3A = arith.constant 16 : i32
        %dma_wait3A_41 = arith.constant 0 : i32
        %dma_wait3A_42 = tpu.memref_slice %arg7[%dma_wait3A, %dma_wait3A_41] : memref<80x128xi32, #tpu.memory_space<vmem>> -> memref<64x128xi32, #tpu.memory_space<vmem>>
        %dma_wait3A_43 = arith.constant 0 : i32
        %dma_wait3A_44 = arith.constant 0 : i32
        %dma_wait3A_45 = tpu.memref_slice %arg3[%run_scoped3A_26, %dma_wait3A_43, %dma_wait3A_44] : memref<2x64x128xi32, #tpu.memory_space<hbm>> -> memref<1x64x128xi32, #tpu.memory_space<hbm>>
        %dma_wait3A_46 = tpu.memref_squeeze %dma_wait3A_45 : memref<1x64x128xi32, #tpu.memory_space<hbm>> -> memref<64x128xi32, #tpu.memory_space<hbm>>
        %dma_wait3A_47 = arith.constant 16 : i32
        %dma_wait3A_48 = arith.constant 0 : i32
        %dma_wait3A_49 = tpu.memref_slice %arg7[%dma_wait3A_47, %dma_wait3A_48] : memref<80x128xi32, #tpu.memory_space<vmem>> -> memref<64x128xi32, #tpu.memory_space<vmem>>
        %dma_wait3A_50 = arith.constant 0 : i32
        %dma_wait3A_51 = arith.constant 0 : i32
        %dma_wait3A_52 = tpu.memref_slice %arg3[%run_scoped3A_26, %dma_wait3A_50, %dma_wait3A_51] : memref<2x64x128xi32, #tpu.memory_space<hbm>> -> memref<1x64x128xi32, #tpu.memory_space<hbm>>
        %dma_wait3A_53 = tpu.memref_squeeze %dma_wait3A_52 : memref<1x64x128xi32, #tpu.memory_space<hbm>> -> memref<64x128xi32, #tpu.memory_space<hbm>>
        tpu.wait_dma2 semaphore(%run_scoped3A_27 : memref<!tpu.dma_semaphore, #tpu.memory_space<semaphore_mem>>) src(%dma_wait3A_53 : memref<64x128xi32, #tpu.memory_space<hbm>>) dst(%dma_wait3A_49 : memref<64x128xi32, #tpu.memory_space<vmem>>)
        tpu.yield
      }) : () -> ()
    } else {
    }
    %gt3A = arith.constant 31 : i32
    %gt3A_9 = arith.cmpi sgt, %add3A, %gt3A : i32
    %convert_element_type3A_10 = arith.extui %gt3A_9 : i1 to i32
    %cond3A_11 = arith.constant 0 : i32
    %cond3A_12 = arith.cmpi ne, %convert_element_type3A_10, %cond3A_11 : i32
    scf.if %cond3A_12 {
      %mul3A_26 = arith.constant 80 : i32
      %mul3A_27 = arith.muli %add3A, %mul3A_26 : i32
      %sub3A = arith.constant 2496 : i32
      %sub3A_28 = arith.subi %mul3A_27, %sub3A : i32
      %run_scoped3A = arith.constant 1 : i32
      "tpu.region"() ({
        %run_scoped3A_29 = tpu.sem_alloc : memref<!tpu.dma_semaphore, #tpu.memory_space<semaphore_mem>>
        %dma_start3A = arith.constant 0 : i32
        %dma_start3A_30 = tpu.memref_slice %arg3[%run_scoped3A, %sub3A_28, %dma_start3A] : memref<2x64x128xi32, #tpu.memory_space<hbm>> -> memref<1x80x128xi32, #tpu.memory_space<hbm>>
        %dma_start3A_31 = tpu.memref_squeeze %dma_start3A_30 : memref<1x80x128xi32, #tpu.memory_space<hbm>> -> memref<80x128xi32, #tpu.memory_space<hbm>>
        %dma_start3A_32 = arith.constant 0 : i32
        %dma_start3A_33 = tpu.memref_slice %arg3[%run_scoped3A, %sub3A_28, %dma_start3A_32] : memref<2x64x128xi32, #tpu.memory_space<hbm>> -> memref<1x80x128xi32, #tpu.memory_space<hbm>>
        %dma_start3A_34 = tpu.memref_squeeze %dma_start3A_33 : memref<1x80x128xi32, #tpu.memory_space<hbm>> -> memref<80x128xi32, #tpu.memory_space<hbm>>
        tpu.enqueue_dma source(%dma_start3A_34 : memref<80x128xi32, #tpu.memory_space<hbm>>) target(%arg7 : memref<80x128xi32, #tpu.memory_space<vmem>>) target_semaphore(%run_scoped3A_29 : memref<!tpu.dma_semaphore, #tpu.memory_space<semaphore_mem>>)
        %dma_wait3A = arith.constant 0 : i32
        %dma_wait3A_35 = tpu.memref_slice %arg3[%run_scoped3A, %sub3A_28, %dma_wait3A] : memref<2x64x128xi32, #tpu.memory_space<hbm>> -> memref<1x80x128xi32, #tpu.memory_space<hbm>>
        %dma_wait3A_36 = tpu.memref_squeeze %dma_wait3A_35 : memref<1x80x128xi32, #tpu.memory_space<hbm>> -> memref<80x128xi32, #tpu.memory_space<hbm>>
        %dma_wait3A_37 = arith.constant 0 : i32
        %dma_wait3A_38 = tpu.memref_slice %arg3[%run_scoped3A, %sub3A_28, %dma_wait3A_37] : memref<2x64x128xi32, #tpu.memory_space<hbm>> -> memref<1x80x128xi32, #tpu.memory_space<hbm>>
        %dma_wait3A_39 = tpu.memref_squeeze %dma_wait3A_38 : memref<1x80x128xi32, #tpu.memory_space<hbm>> -> memref<80x128xi32, #tpu.memory_space<hbm>>
        tpu.wait_dma2 semaphore(%run_scoped3A_29 : memref<!tpu.dma_semaphore, #tpu.memory_space<semaphore_mem>>) src(%dma_wait3A_39 : memref<80x128xi32, #tpu.memory_space<hbm>>) dst(%arg7 : memref<80x128xi32, #tpu.memory_space<vmem>>)
        tpu.yield
      }) : () -> ()
    } else {
    }
    %barrier3A = arith.constant 0 : index
    tpu.barrier barrier_id(%barrier3A)
    %scan3A = arith.constant 0 : i32
    %scan3A_13 = arith.constant 0 : i32
    %scan3A_14 = arith.constant 80 : i32
    %scan3A_15 = arith.addi %scan3A_13, %scan3A_14 : i32
    %scan3A_16 = arith.constant 1 : i32
    scf.for %scan3A_26 = %scan3A_13 to %scan3A_15 step %scan3A_16  : i32 {
      "tpu.region"() ({
        %run_scoped3A = tpu.sem_alloc : memref<!tpu.dma_semaphore, #tpu.memory_space<semaphore_mem>>
        %dma_start3A = arith.constant 0 : i32
        %dma_start3A_27 = tpu.memref_slice %arg7[%scan3A_26, %dma_start3A] : memref<80x128xi32, #tpu.memory_space<vmem>> -> memref<1x128xi32, #tpu.memory_space<vmem>>
        %dma_start3A_28 = tpu.memref_squeeze %dma_start3A_27 : memref<1x128xi32, #tpu.memory_space<vmem>> -> memref<128xi32, #tpu.memory_space<vmem>>
        %dma_start3A_29 = arith.constant 0 : i32
        %dma_start3A_30 = tpu.memref_slice %arg9[%dma_start3A_29] : memref<10240xf32, #tpu.memory_space<vmem_shared>> -> memref<10240xf32, #tpu.memory_space<vmem_shared>>
        tpu.enqueue_indirect_dma source(%arg8 : memref<128xf32, #tpu.memory_space<vmem>>) target(%dma_start3A_30 : memref<10240xf32, #tpu.memory_space<vmem_shared>>) offsets(%dma_start3A_28 : memref<128xi32, #tpu.memory_space<vmem>>) semaphore(%run_scoped3A : memref<!tpu.dma_semaphore, #tpu.memory_space<semaphore_mem>>) {add = true}
        %dma_wait3A = arith.constant 0 : i32
        %dma_wait3A_31 = tpu.memref_slice %arg7[%scan3A_26, %dma_wait3A] : memref<80x128xi32, #tpu.memory_space<vmem>> -> memref<1x128xi32, #tpu.memory_space<vmem>>
        %dma_wait3A_32 = tpu.memref_squeeze %dma_wait3A_31 : memref<1x128xi32, #tpu.memory_space<vmem>> -> memref<128xi32, #tpu.memory_space<vmem>>
        %dma_wait3A_33 = arith.constant 0 : i32
        %dma_wait3A_34 = tpu.memref_slice %arg9[%dma_wait3A_33] : memref<10240xf32, #tpu.memory_space<vmem_shared>> -> memref<10240xf32, #tpu.memory_space<vmem_shared>>
        tpu.wait_indirect_dma semaphore(%run_scoped3A : memref<!tpu.dma_semaphore, #tpu.memory_space<semaphore_mem>>) src(%arg8 : memref<128xf32, #tpu.memory_space<vmem>>) dst(%dma_wait3A_34 : memref<10240xf32, #tpu.memory_space<vmem_shared>>)
        tpu.yield
      }) : () -> ()
    }
    %scan3A_17 = arith.constant 80 : i32
    %barrier3A_18 = arith.constant 0 : index
    tpu.barrier barrier_id(%barrier3A_18)
    %mul3A_19 = arith.constant 640 : i32
    %mul3A_20 = arith.muli %arg1, %mul3A_19 : i32
    %mul3A_21 = arith.constant 10240 : i32
    %mul3A_22 = arith.muli %arg0, %mul3A_21 : i32
    %mul3A_23 = arith.constant 640 : i32
    %mul3A_24 = arith.muli %arg1, %mul3A_23 : i32
    %add3A_25 = arith.addi %mul3A_22, %mul3A_24 : i32
    "tpu.region"() ({
      %run_scoped3A = tpu.sem_alloc : memref<!tpu.dma_semaphore, #tpu.memory_space<semaphore_mem>>
      %dma_start3A = tpu.memref_slice %arg6[%add3A_25] : memref<20480xf32, #tpu.memory_space<hbm>> -> memref<640xf32, #tpu.memory_space<hbm>>
      %dma_start3A_26 = tpu.memref_slice %arg9[%mul3A_20] : memref<10240xf32, #tpu.memory_space<vmem_shared>> -> memref<640xf32, #tpu.memory_space<vmem_shared>>
      tpu.enqueue_dma source(%dma_start3A_26 : memref<640xf32, #tpu.memory_space<vmem_shared>>) target(%dma_start3A : memref<640xf32, #tpu.memory_space<hbm>>) target_semaphore(%run_scoped3A : memref<!tpu.dma_semaphore, #tpu.memory_space<semaphore_mem>>)
      %dma_wait3A = tpu.memref_slice %arg6[%add3A_25] : memref<20480xf32, #tpu.memory_space<hbm>> -> memref<640xf32, #tpu.memory_space<hbm>>
      %dma_wait3A_27 = tpu.memref_slice %arg9[%mul3A_20] : memref<10240xf32, #tpu.memory_space<vmem_shared>> -> memref<640xf32, #tpu.memory_space<vmem_shared>>
      tpu.wait_dma2 semaphore(%run_scoped3A : memref<!tpu.dma_semaphore, #tpu.memory_space<semaphore_mem>>) src(%dma_wait3A_27 : memref<640xf32, #tpu.memory_space<vmem_shared>>) dst(%dma_wait3A : memref<640xf32, #tpu.memory_space<hbm>>)
      tpu.yield
    }) : () -> ()
    return
  }
}

module attributes {stable_mosaic.version = 14 : i64} {
  func.func @_linear_body(%arg0: memref<10000x128xf32, #tpu.memory_space<vmem>>, %arg1: memref<128x128xf32, #tpu.memory_space<vmem>>, %arg2: memref<10240x1xf32, #tpu.memory_space<vmem>>, %arg3: memref<10240x128xf32, #tpu.memory_space<vmem>>, %arg4: memref<10240x1xf32, #tpu.memory_space<vmem>>) attributes {dimension_semantics = [], scalar_prefetch = 0 : i64, scratch_operands = 0 : i64, tpu.core_type = #tpu.core_type<tc>} {
    %get3A = arith.constant 0 : index
    %get3A_0 = arith.constant 0 : index
    %get3A_1 = vector.load %arg2[%get3A, %get3A_0] : memref<10240x1xf32, #tpu.memory_space<vmem>>, vector<10240x1xf32>
    %add3A = arith.constant 1.000000e+00 : f32
    %add3A_2 = vector.broadcast %add3A : f32 to vector<10240x1xf32>
    %add3A_3 = arith.addf %get3A_1, %add3A_2 : vector<10240x1xf32>
    %rsqrt3A = math.rsqrt %add3A_3 : vector<10240x1xf32>
    %get3A_4 = arith.constant 0 : index
    %get3A_5 = arith.constant 0 : index
    %get3A_6 = vector.load %arg0[%get3A_4, %get3A_5] : memref<10000x128xf32, #tpu.memory_space<vmem>>, vector<10000x128xf32>
    %get3A_7 = arith.constant 0 : index
    %get3A_8 = arith.constant 0 : index
    %get3A_9 = vector.load %arg1[%get3A_7, %get3A_8] : memref<128x128xf32, #tpu.memory_space<vmem>>, vector<128x128xf32>
    %dot_general3A = arith.constant dense<0.000000e+00> : vector<10000x128xf32>
    %dot_general3A_10 = tpu.matmul %get3A_6, %get3A_9, %dot_general3A {dimension_numbers = #tpu.dot_dimension_numbers<[1], [0], [0], [1], [0, 0, 1, 1], [], []>, transpose_lhs_hint = false} : vector<10000x128xf32>, vector<128x128xf32>, vector<10000x128xf32> -> vector<10000x128xf32>
    %jit3A = arith.constant 0 : i32
    %convert_element_type3A = arith.sitofp %jit3A : i32 to f32
    %pad3A = vector.broadcast %convert_element_type3A : f32 to vector<240x128xf32>
    %pad3A_11 = tpu.concatenate %dot_general3A_10, %pad3A in 0 : vector<10000x128xf32>, vector<240x128xf32> -> vector<10240x128xf32>
    %mul3A = vector.broadcast %rsqrt3A : vector<10240x1xf32> to vector<10240x128xf32>
    %mul3A_12 = arith.mulf %pad3A_11, %mul3A : vector<10240x128xf32>
    %swap3A = arith.constant 0 : index
    %swap3A_13 = arith.constant 0 : index
    %swap3A_14 = vector.load %arg3[%swap3A, %swap3A_13] : memref<10240x128xf32, #tpu.memory_space<vmem>>, vector<10240x128xf32>
    tpu.vector_store %arg3[%swap3A, %swap3A_13], %mul3A_12 {strides = array<i32>} : memref<10240x128xf32, #tpu.memory_space<vmem>>, vector<10240x128xf32>,
    %swap3A_15 = arith.constant 0 : index
    %swap3A_16 = arith.constant 0 : index
    %swap3A_17 = vector.load %arg4[%swap3A_15, %swap3A_16] : memref<10240x1xf32, #tpu.memory_space<vmem>>, vector<10240x1xf32>
    tpu.vector_store %arg4[%swap3A_15, %swap3A_16], %rsqrt3A {strides = array<i32>} : memref<10240x1xf32, #tpu.memory_space<vmem>>, vector<10240x1xf32>,
    return
  }
}

module attributes {stable_mosaic.version = 14 : i64} {
  func.func @_post_body(%arg0: memref<2x10240x128xf32, #tpu.memory_space<vmem>>, %arg1: memref<10240x128xf32, #tpu.memory_space<vmem>>, %arg2: memref<10240x1xf32, #tpu.memory_space<vmem>>, %arg3: memref<1x128xf32, #tpu.memory_space<vmem>>, %arg4: memref<1x128xf32, #tpu.memory_space<vmem>>, %arg5: memref<1x128xf32, #tpu.memory_space<vmem>>, %arg6: memref<10000x128xf32, #tpu.memory_space<vmem>>) attributes {dimension_semantics = [], scalar_prefetch = 0 : i64, scratch_operands = 0 : i64, tpu.core_type = #tpu.core_type<tc>} {
    %get3A = arith.constant 0 : index
    %get3A_0 = arith.constant 0 : index
    %get3A_1 = arith.constant 0 : index
    %get3A_2 = vector.load %arg0[%get3A, %get3A_0, %get3A_1] : memref<2x10240x128xf32, #tpu.memory_space<vmem>>, vector<1x10240x128xf32>
    %get3A_3 = vector.shape_cast %get3A_2 : vector<1x10240x128xf32> to vector<10240x128xf32>
    %get3A_4 = arith.constant 1 : index
    %get3A_5 = arith.constant 0 : index
    %get3A_6 = arith.constant 0 : index
    %get3A_7 = vector.load %arg0[%get3A_4, %get3A_5, %get3A_6] : memref<2x10240x128xf32, #tpu.memory_space<vmem>>, vector<1x10240x128xf32>
    %get3A_8 = vector.shape_cast %get3A_7 : vector<1x10240x128xf32> to vector<10240x128xf32>
    %add3A = arith.addf %get3A_3, %get3A_8 : vector<10240x128xf32>
    %get3A_9 = arith.constant 0 : index
    %get3A_10 = arith.constant 0 : index
    %get3A_11 = vector.load %arg1[%get3A_9, %get3A_10] : memref<10240x128xf32, #tpu.memory_space<vmem>>, vector<10240x128xf32>
    %add3A_12 = arith.addf %add3A, %get3A_11 : vector<10240x128xf32>
    %get3A_13 = arith.constant 0 : index
    %get3A_14 = arith.constant 0 : index
    %get3A_15 = vector.load %arg2[%get3A_13, %get3A_14] : memref<10240x1xf32, #tpu.memory_space<vmem>>, vector<10240x1xf32>
    %slice3A = vector.extract_strided_slice %get3A_15 {offsets = [0, 0], sizes = [10000, 1], strides = [1, 1]} : vector<10240x1xf32> to vector<10000x1xf32>
    %slice3A_16 = vector.extract_strided_slice %add3A_12 {offsets = [0, 0], sizes = [10000, 128], strides = [1, 1]} : vector<10240x128xf32> to vector<10000x128xf32>
    %mul3A = vector.broadcast %slice3A : vector<10000x1xf32> to vector<10000x128xf32>
    %mul3A_17 = arith.mulf %mul3A, %slice3A_16 : vector<10000x128xf32>
    %get3A_18 = arith.constant 0 : index
    %get3A_19 = arith.constant 0 : index
    %get3A_20 = vector.load %arg3[%get3A_18, %get3A_19] : memref<1x128xf32, #tpu.memory_space<vmem>>, vector<1x128xf32>
    %add3A_21 = vector.broadcast %get3A_20 : vector<1x128xf32> to vector<10000x128xf32>
    %add3A_22 = arith.addf %mul3A_17, %add3A_21 : vector<10000x128xf32>
    %ge3A = arith.constant 0.000000e+00 : f32
    %ge3A_23 = vector.broadcast %ge3A : f32 to vector<10000x128xf32>
    %ge3A_24 = arith.cmpf oge, %add3A_22, %ge3A_23 : vector<10000x128xf32>
    %mul3A_25 = arith.constant 0.00999999977 : f32
    %mul3A_26 = vector.broadcast %mul3A_25 : f32 to vector<10000x128xf32>
    %mul3A_27 = arith.mulf %mul3A_26, %add3A_22 : vector<10000x128xf32>
    %select_n3A = arith.select %ge3A_24, %add3A_22, %mul3A_27 : vector<10000x128xi1>, vector<10000x128xf32>
    %reduce_sum3A = arith.constant dense<0.000000e+00> : vector<128xf32>
    %reduce_sum3A_28 = vector.multi_reduction <add>, %select_n3A, %reduce_sum3A [0] : vector<10000x128xf32> to vector<128xf32>
    %broadcast_in_dim3A = vector.shape_cast %reduce_sum3A_28 : vector<128xf32> to vector<1x128xf32>
    %div3A = arith.constant 1.000000e+04 : f32
    %div3A_29 = vector.broadcast %div3A : f32 to vector<1x128xf32>
    %div3A_30 = arith.divf %broadcast_in_dim3A, %div3A_29 : vector<1x128xf32>
    %sub3A = vector.broadcast %div3A_30 : vector<1x128xf32> to vector<10000x128xf32>
    %sub3A_31 = arith.subf %select_n3A, %sub3A : vector<10000x128xf32>
    %integer_pow3A = arith.mulf %sub3A_31, %sub3A_31 : vector<10000x128xf32>
    %reduce_sum3A_32 = arith.constant dense<0.000000e+00> : vector<128xf32>
    %reduce_sum3A_33 = vector.multi_reduction <add>, %integer_pow3A, %reduce_sum3A_32 [0] : vector<10000x128xf32> to vector<128xf32>
    %broadcast_in_dim3A_34 = vector.shape_cast %reduce_sum3A_33 : vector<128xf32> to vector<1x128xf32>
    %div3A_35 = arith.constant 1.000000e+04 : f32
    %div3A_36 = vector.broadcast %div3A_35 : f32 to vector<1x128xf32>
    %div3A_37 = arith.divf %broadcast_in_dim3A_34, %div3A_36 : vector<1x128xf32>
    %sub3A_38 = vector.broadcast %div3A_30 : vector<1x128xf32> to vector<10000x128xf32>
    %sub3A_39 = arith.subf %select_n3A, %sub3A_38 : vector<10000x128xf32>
    %add3A_40 = arith.constant 9.99999974E-6 : f32
    %add3A_41 = vector.broadcast %add3A_40 : f32 to vector<1x128xf32>
    %add3A_42 = arith.addf %div3A_37, %add3A_41 : vector<1x128xf32>
    %rsqrt3A = math.rsqrt %add3A_42 : vector<1x128xf32>
    %mul3A_43 = vector.broadcast %rsqrt3A : vector<1x128xf32> to vector<10000x128xf32>
    %mul3A_44 = arith.mulf %sub3A_39, %mul3A_43 : vector<10000x128xf32>
    %get3A_45 = arith.constant 0 : index
    %get3A_46 = arith.constant 0 : index
    %get3A_47 = vector.load %arg4[%get3A_45, %get3A_46] : memref<1x128xf32, #tpu.memory_space<vmem>>, vector<1x128xf32>
    %mul3A_48 = vector.broadcast %get3A_47 : vector<1x128xf32> to vector<10000x128xf32>
    %mul3A_49 = arith.mulf %mul3A_44, %mul3A_48 : vector<10000x128xf32>
    %get3A_50 = arith.constant 0 : index
    %get3A_51 = arith.constant 0 : index
    %get3A_52 = vector.load %arg5[%get3A_50, %get3A_51] : memref<1x128xf32, #tpu.memory_space<vmem>>, vector<1x128xf32>
    %add3A_53 = vector.broadcast %get3A_52 : vector<1x128xf32> to vector<10000x128xf32>
    %add3A_54 = arith.addf %mul3A_49, %add3A_53 : vector<10000x128xf32>
    %swap3A = arith.constant 0 : index
    %swap3A_55 = arith.constant 0 : index
    %swap3A_56 = vector.load %arg6[%swap3A, %swap3A_55] : memref<10000x128xf32, #tpu.memory_space<vmem>>, vector<10000x128xf32>
    tpu.vector_store %arg6[%swap3A, %swap3A_55], %add3A_54 {strides = array<i32>} : memref<10000x128xf32, #tpu.memory_space<vmem>>, vector<10000x128xf32>,
    return
  }
}

</mosaic_0001>

<sc_bundles>
// kernel: kernel.6.cloned.1.call-start
scs
__scs_entry_jumppad:
0x0: {  	(pc) =	sbr.rel $0x88, $3  }
0x1: {  	(tag) =	ssettag $0x0;
	lr =	simm.s32 $0x1  }
0x2: {  	[smem:$0x3F9B] =	sst lr;
	_ =	strace $0xD0000000  }
0x3: {  	_ = 	snop  }
0x4: {  	_ = 	snop  }
0x5: {  	_ = 	snop  }
0x6: {  	_ = 	snop  }
0x7: {  	_ = 	snop  }
__scs_overlays_trampoline_lowered:
0x8: {  	[smem:$0x3FAA] =	sst s0  }
0x9: {  	[smem:$0x3FAB] =	sst s1  }
0xa: {  	[smem:$0x3FAC] =	sst s2  }
0xb: {  	[smem:$0x3FAD] =	sst s3  }
0xc: {  	[smem:$0x3FAE] =	sst s4  }
0xd: {  	[smem:$0x3FAF] =	sst s5  }
0xe: {  	[smem:$0x3FB0] =	sst s6  }
0xf: {  	[smem:$0x3FB1] =	sst s7  }
0x10: {  	[smem:$0x3FB2] =	sst s8  }
0x11: {  	[smem:$0x3FB3] =	sst s9;
	s0 =	simm.s32 @!p0 $0x0  }
0x12: {  	s1 =	sld [smem:$0x3F99];
	s0 =	simm.s32 @p0 $0x1  }
0x13: {  	[smem:$0x3FB4] =	sst s0;
	s0 =	simm.s32 @!p1 $0x0  }
0x14: {  	s2 =	sld [smem:$0x3F98];
	s0 =	simm.s32 @p1 $0x1  }
0x15: {  	[smem:$0x3FB5] =	sst s0;
	s0 =	simm.s32 @!p2 $0x0  }
0x16: {  	s3 =	sld [smem:$0x3FDB];
	s0 =	simm.s32 @p2 $0x1  }
0x17: {  	s4 =	simm.s32 $0x1BF5;
	[smem:$0x3FB7] =	sst s0  }
0x18: {  	s0 =	sld [smem:$0x3F9A];
	_ =	swait.ge [sflag:s4], $0x0  }
0x19: {  	s7 =	sld [smem:$0x3F9B]  }
0x1a: {  	s8 =	sadd.s32 $0xFFFFE003, lr  }
0x1b: {  	s9 =	sadd.s32 $0xFFFFFEF7, lr;
	s5 =	simm.s32 $0xFFFFFFFF;
	p2 =	slt.u32 s8, $0xFFFFF086  }
0x1c: {  	p1 =	slt.u32 s9, $0xF7A;
	s5 =	simm.s32 @!p2 $0x0  }
0x1d: {  	s5 =	simm.s32 @p1 $0x1;
	p0 =	seq.s32 s7, s2  }
0x1e: {  	s7 =	smul.u32 @!p0 $0xF7A, s2;
	p2 =	seq.s32 @!p0 s5, $0x0  }
0x1f: {  	s9 =	smul.u32 $0xF7A, s1;
	s8 =	simm.s32 @!p0 $0x1BF5;
	p2 =	por !p2, p0  }
0x20: {  	[sflag:s8] =	ssyncset.s32 @!p0 $0xFFFFF086;
	s6 =	sadd.s32 @!p0 s3, s7;
	s7 =	simm.s32 @!p0 $0x108  }
0x21: {  	s3 =	sadd.s32 s3, s9;
	s6 =	sadd.s32 @!p0 $0x88, s6;
	s7 =	simm.s32 @p2 $0x1082  }
0x22: {  	[simem:s7], [sflag:s8] =	dma.local @!p0 [hbm:s6], $0xF7A  }
0x23: {  	s9 =	sor.u32 $0xD0000000, s2;
	s6 =	simm.s32 $0x108;
	_ =	swait.ge @!p0 [sflag:s8], $0x0  }
0x24: {  	s3 =	sadd.s32 $0x88, s3;
	s6 =	simm.s32 @!p1 $0x1082;
	[sflag:s4] =	ssyncset.s32 $0xFFFFF086  }
0x25: {  	[simem:s6], [sflag:s4] =	dma.local [hbm:s3], $0xF7A  }
0x26: {  	[smem:$0x3F9B] =	sst s1;
	(tag) =	ssettag s2;
	_ =	strace s9  }
0x27: {  	s1 =	sld [smem:$0x3FAB]  }
0x28: {  	s2 =	sld [smem:$0x3FAC]  }
0x29: {  	s4 =	sld [smem:$0x3FAE]  }
0x2a: {  	p0 =	seq.s32 s5, $0x0;
	s5 =	sld [smem:$0x3FAF]  }
0x2b: {  	s6 =	sld [smem:$0x3FB0]  }
0x2c: {  	s7 =	sld [smem:$0x3FB1]  }
0x2d: {  	s3 =	simm.s32 $0x108;
	s8 =	sld [smem:$0x3FB2]  }
0x2e: {  	s3 =	simm.s32 @!p0 $0x1082;
	s9 =	sld [smem:$0x3FB3]  }
0x2f: {  	lr =	sadd.s32 s0, s3;
	s0 =	sld [smem:$0x3FAA]  }
0x30: {  	s3 =	sld [smem:$0x3FAD]  }
0x31: {  	[smem:$0x3FB6] =	sst s10  }
0x32: {  	s10 =	sld [smem:$0x3FB4];
	_ =	sdelay $0x3  }
0x33: {  	p0 =	seq.s32 s10, $0x1;
	s10 =	sld [smem:$0x3FB6];
	_ =	sdelay $0x3  }
0x34: {  	[smem:$0x3FB6] =	sst s10  }
0x35: {  	s10 =	sld [smem:$0x3FB5];
	_ =	sdelay $0x3  }
0x36: {  	p1 =	seq.s32 s10, $0x1;
	s10 =	sld [smem:$0x3FB6];
	_ =	sdelay $0x3  }
0x37: {  	[smem:$0x3FB6] =	sst s10  }
0x38: {  	s10 =	sld [smem:$0x3FB7]  }
0x39: {  	_ = 	snop;
	(pc) =	sbr.ind lr, $3  }
0x3a: {  	_ = 	snop  }
0x3b: {  	_ = 	snop  }
0x3c: {  	p2 =	seq.s32 s10, $0x1;
	s10 =	sld [smem:$0x3FB6]  }
0x3d: {  	_ =	shalt  }
0x3e: {  	_ =	shalt  }
0x3f: {  	_ =	shalt  }
0x40: {  	_ =	shalt  }
0x41: {  	_ =	shalt  }
0x42: {  	_ =	shalt  }
0x43: {  	_ =	shalt  }
0x44: {  	_ =	shalt  }
0x45: {  	_ =	shalt  }
0x46: {  	_ =	shalt  }
0x47: {  	_ =	shalt  }
0x48: {  	_ =	shalt  }
0x49: {  	_ =	shalt  }
0x4a: {  	_ =	shalt  }
0x4b: {  	_ =	shalt  }
0x4c: {  	_ =	shalt  }
0x4d: {  	_ =	shalt  }
0x4e: {  	_ =	shalt  }
0x4f: {  	_ =	shalt  }
0x50: {  	_ =	shalt  }
0x51: {  	_ =	shalt  }
0x52: {  	_ =	shalt  }
0x53: {  	_ =	shalt  }
0x54: {  	_ =	shalt  }
0x55: {  	_ =	shalt  }
0x56: {  	_ =	shalt  }
0x57: {  	_ =	shalt  }
0x58: {  	_ =	shalt  }
0x59: {  	_ =	shalt  }
0x5a: {  	_ =	shalt  }
0x5b: {  	_ =	shalt  }
0x5c: {  	_ =	shalt  }
0x5d: {  	_ =	shalt  }
0x5e: {  	_ =	shalt  }
0x5f: {  	_ =	shalt  }
0x60: {  	_ =	shalt  }
0x61: {  	_ =	shalt  }
0x62: {  	_ =	shalt  }
0x63: {  	_ =	shalt  }
0x64: {  	_ =	shalt  }
0x65: {  	_ =	shalt  }
0x66: {  	_ =	shalt  }
0x67: {  	_ =	shalt  }
0x68: {  	_ =	shalt  }
0x69: {  	_ =	shalt  }
0x6a: {  	_ =	shalt  }
0x6b: {  	_ =	shalt  }
0x6c: {  	_ =	shalt  }
0x6d: {  	_ =	shalt  }
0x6e: {  	_ =	shalt  }
0x6f: {  	_ =	shalt  }
0x70: {  	_ =	shalt  }
0x71: {  	_ =	shalt  }
0x72: {  	_ =	shalt  }
0x73: {  	_ =	shalt  }
0x74: {  	_ =	shalt  }
0x75: {  	_ =	shalt  }
0x76: {  	_ =	shalt  }
0x77: {  	_ =	shalt  }
0x78: {  	_ =	shalt  }
0x79: {  	_ =	shalt  }
0x7a: {  	_ =	shalt  }
0x7b: {  	_ =	shalt  }
0x7c: {  	_ =	shalt  }
0x7d: {  	_ =	shalt  }
0x7e: {  	_ =	shalt  }
0x7f: {  	_ =	shalt  }
0x80: {  	_ =	shalt  }
0x81: {  	_ =	shalt  }
0x82: {  	_ =	shalt  }
0x83: {  	_ =	shalt  }
0x84: {  	_ =	shalt  }
0x85: {  	_ =	shalt  }
0x86: {  	_ =	shalt  }
0x87: {  	_ =	shalt  }
.Lfunc_end0:
.L_simem_size_0:
called_computation_lowered:
.L_overlay_start_0:
0x88: {  	s2 =	sld [smem:$0x3FD9]  }
0x89: {  	s3 =	sld [smem:$0x3FFE];
	_ =	sdelay $0x1  }
0x8a: {  	s1 =	srdreg.scid  }
0x8b: {  	s0 =	sand.u32 $0x1, s1  }
0x8c: {  	s17 =	sshll.u32 s0, $0xA;
	s2 =	sadd.s32 s3, s2  }
0x8d: {  	s2 =	sadd.s32 s2, s17  }
0x8e: {  	[smem:$0x3FC2] =	sst s2  }
0x8f: {  	_ = 	snop  }
0x90: {  	s2 =	sld [smem:$0x3FD0];
	(tm) =	ssettm $0x1  }
0x91: {  	s18 =	sld [smem:$0x3FFB];
	_ =	sdelay $0x3  }
0x92: {  	_ =	strace s18  }
0x93: {  	s3 =	sld [smem:$0x3FFC];
	_ =	sdelay $0x3  }
0x94: {  	_ =	strace s3  }
0x95: {  	s3 =	sld [smem:$0x3FFD];
	_ =	sdelay $0x3  }
0x96: {  	_ =	strace s3  }
0x97: {  	_ =	strace $0x8FFFFFFF  }
0x98: {  	s19 =	sld [smem:$0x3FDB];
	_ =	sdelay $0x1  }
0x99: {  	s4 =	simm.s32 $_scs_section_size  }
0x9a: {  	s5 =	simm.s32 $_size__tile_overlayer_lowered;
	s6 =	simm.s32 $_tile_overlayer_lowered  }
0x9b: {  	s22 =	simm.s32 $0x1BFF;
	s21 =	sshll.u32 s6, $0x1;
	s3 =	sadd.s32 s4, s19  }
0x9c: {  	s7 =	simm.s32 $0x0;
	s20 =	sshll.u32 s5, $0x1;
	s5 =	sadd.s32 s21, s3  }
0x9d: {  	[timem:s7], [sflag:s22] =	dma.local [hbm:s5], s20  }
0x9e: {  	_ =	swait.ge [sflag:s22], s20  }
0x9f: {  	s4 =	ssub.s32 $0x0, s20;
	[sflag:s22] =	ssyncset.done $0x0  }
0xa0: {  	[sflag:s22] =	ssyncadd.s32 s4;
	_ =	sdelay $0x1  }
0xa1: {  	s23 =	simm.s32 $0x1B8B  }
0xa2: {  	_ =	swait.ge [sflag:s23], $0x1  }
0xa3: {  	[sflag:s23] =	ssyncset.done $0x0  }
0xa4: {  	s25 =	simm.s32 $0x1B8E;
	s24 =	sld [smem:$0x3FFE];
	[sflag:s23] =	ssyncadd.s32 $0xFFFFFFFF  }
0xa5: {  	s26 =	simm.s32 $execute0_lowered;
	[smem:$0x3FD2] =	sst s25  }
0xa6: {  	s5 =	sshll.u32 s26, $0x1;
	_ =	strace $0x80000046;
	[dreg:$0x1] =	wrdreg $0xFFFFFFFF  }
0xa7: {  	s28 =	simm.s32 $_size_execute0_lowered;
	s3 =	sadd.s32 s3, s5;
	[dreg:$0x0] =	wrdreg $0x0  }
0xa8: {  	s5 =	sshll.u32 s28, $0x1;
	[dreg:$0x2] =	wrdreg s3  }
0xa9: {  	[dreg:$0x3] =	wrdreg s5  }
0xaa: {  	[dreg:$0x4] =	wrdreg $0xC0  }
0xab: {  	_ =	task [dreg:s7], $0x5FFFF  }
0xac: {  	[dreg:$0x1] =	wrdreg $0xFFFFFFFF  }
0xad: {  	[dreg:$0x0] =	wrdreg $0x60  }
0xae: {  	[dreg:$0x2] =	wrdreg s2  }
0xaf: {  	[dreg:$0x3] =	wrdreg s24  }
0xb0: {  	[dreg:$0x4] =	wrdreg $0x28800  }
0xb1: {  	[dreg:$0x5] =	wrdreg $0x9  }
0xb2: {  	_ =	task.clear_ibuf [dreg:s7], $0x6FFFF;
	_ =	strace $0x90000046  }
0xb3: {  	s29 =	simm.s32 $0x9;
	_ =	strace $0x80000048  }
0xb4: {  	_ =	swait.ge [sflag:s29], $0x1  }
0xb5: {  	[sflag:s29] =	ssyncadd.s32 $0xFFFFFFFF  }
0xb6: {  	_ =	strace $0x90000048  }
0xb7: {  	_ =	sfence  }
0xb8: {  	s30 =	sld [smem:$0x0];
	_ =	sdelay $0x2  }
0xb9: {  	s31 =	sshll.u32 s1, $0xD;
	s1 =	sshrl.u32 s1, $0x2  }
0xba: {  	s3 =	sand.u32 $0x4000, s31;
	s1 =	sadd.s32 s1, s30  }
0xbb: {  	s0 =	sor.u32 s3, s0;
	s1 =	sshll.u32 s1, $0x11  }
0xbc: {  	s0 =	sor.u32 s1, s0  }
0xbd: {  	s0 =	sadd.s32 $0x8F2B, s0  }
0xbe: {  	[sflag:s0] =	ssyncadd.remote.s32 $0x1  }
0xbf: {  	_ =	sfence.sel $0xFFFF  }
0xc0: {  	[dreg:$0x0] =	wrdreg $0xFFFFFFFF;
	(pc) =	sbr.abs _section_cstart, $3  }
0xc1: {  	[dreg:$0x1] =	wrdreg $0xFFFFFFFF  }
0xc2: {  	_ =	task.clear_ibuf [dreg:s7], $0x2FFFF;
	_ =	strace $0x9FFFFFFF  }
0xc3: {  	(tm) =	ssettm $0x7FFFFFFF  }
tec
execute0_lowered:
.L_overlay_start_1:
0x0: {  	(tag) =	ssettag $0x1  }
0x1: {  	s8 =	rddreg [dreg:$0x0]  }
0x2: {  	s9 =	rddreg [dreg:$0x1]  }
0x3: {  	s2 =	rddreg [dreg:$0x2]  }
0x4: {  	s0 =	rddreg [dreg:$0x3]  }
0x5: {  	s4 =	srdreg.scid;
	s1 =	stileid.u32  }
0x6: {  	s3 =	simm.s32 $0x0;
	s16 =	simm.s32 $0x0;
	s5 =	sand.u32 $0x1, s4  }
0x7: {  	s6 =	smul.u32 $0x280, s1;
	[smem:$0x7FF] =	sst s3;
	s4 =	sadd.s32 $0x2400, s9  }
0x8: {  	s31 =	sshll.u32 s1, $0x6;
	s7 =	smul.u32 $0x2800, s5;
	s10 =	sshll.u32 s5, $0x4  }
0x9: {  	_ =	strace $0x80000047;
	s29 =	ssub.s32 $0x2, s5;
	s5 =	sadd.s32 $0x2600, s9  }
0xa: {  	s12 =	sor.u32 s1, s10;
	s13 =	sshrl.u32 s29, $0x1;
	s15 =	sadd.s32 s6, s2  }
0xb: {  	s7 =	sadd.s32 s6, s7;
	s11 =	smul.u32 $0x2800, s12;
	s13 =	ssub.s32 s29, s13  }
0xc: {  	s6 =	sor.u32 $0x1C01, s31;
	p0 =	seq.s32 s12, $0x1F;
	s7 =	sshrl.u32 s7, $0x3  }
0xd: {  	s12 =	sshrl.u32 s15, $0x3;
	s15 =	simm.s32 $0x80;
	s14 =	sadd.s32 s7, s9  }
0xe: {  	s30 =	sshrl.u32 s11, $0x3;
	s9 =	sadd.s32 $0x2000, s9;
	s11 =	smax.u32 s13, $0x1  }
0xf: {  	s13 =	simm.s32 $0x1;
	s7 =	sadd.s32 s8, s30;
	s8 =	sadd.s32 $0x13780, s8  }
0x10: {  	s10 =	sadd.s32 $0x2800, s14;
	s14 =	simm.s32 $0x2800;
	s7 =	sadd.s32 $0x9C80, s7  }
.LBB2_1:
0x11: {  	[spmem:s12], [sflag:s6] =	dma.local [hbm:s5], $0x50  }
0x12: {  	_ =	swait.ge [sflag:s13], $0x50  }
0x13: {  	[sflag:s13] =	ssyncset.done $0x0  }
0x14: {  	[sflag:s13] =	ssyncadd.s32 $0xFFFFFFB0  }
0x15: {  	[tilespmem:s14], [sflag:$0x1] =	stream.linear.gather [hbm4b:s4+s3], $0x80, $0x38;
	[tilespmem:$0x2B00] =	vst v63  }
0x16: {  	_ =	swait.ge [sflag:s13], $0x80  }
0x17: {  	[sflag:s13] =	ssyncset.done $0x0  }
0x18: {  	s17 =	simm.s32 @p0 $0x0;
	s18 =	simm.s32 @p0 $0x1;
	[sflag:s13] =	ssyncadd.s32 $0xFFFFFF80  }
0x19: {  	[tilespmem:s17], [sflag:$0x1] =	stream.linear.gather @p0 [hbm4b:s8+s17], $0x800, $0x38;
	[tilespmem:$0x2B00] =	vst v63  }
0x1a: {  	_ =	swait.ge @p0 [sflag:s18], $0x800  }
0x1b: {  	[sflag:s18] =	ssyncset.done @p0 $0x0  }
0x1c: {  	s19 =	simm.s32 @p0 $0x800;
	[sflag:s18] =	ssyncadd.s32 @p0 $0xFFFFF800  }
0x1d: {  	[tilespmem:s19], [sflag:$0x1] =	stream.linear.gather @p0 [hbm4b:s9+s17], $0x2000, $0x38;
	[tilespmem:$0x2B00] =	vst v63  }
0x1e: {  	_ =	swait.ge @p0 [sflag:s18], $0x2000  }
0x1f: {  	[sflag:s18] =	ssyncset.done @p0 $0x0  }
0x20: {  	s17 =	simm.s32 @!p0 $0x0;
	[sflag:s18] =	ssyncadd.s32 @p0 $0xFFFFE000  }
0x21: {  	[tilespmem:s17], [sflag:$0x1] =	stream.linear.gather @!p0 [hbm4b:s7+s17], $0x2800, $0x38;
	[tilespmem:$0x2B00] =	vst v63  }
0x22: {  	s17 =	simm.s32 @!p0 $0x1  }
0x23: {  	_ =	swait.ge @!p0 [sflag:s17], $0x2800  }
0x24: {  	[sflag:s17] =	ssyncset.done @!p0 $0x0  }
0x25: {  	[sflag:s17] =	ssyncadd.s32 @!p0 $0xFFFFD800  }
0x26: {  	s31 =	simm.s32 $0x0;
	[bflag:$0x0] =	sbarrier.arrive $0xFFFF  }
0x27: {  	[spmem:s2] =	stream.indirect.scatter.add.f32 [tilespmem:s14], [sflag:$0x1], $0x1, s31, s15, $0xb8;
	[tilespmem:$0x2B00] =	vst v63  }
0x28: {  	_ =	swait.ge [sflag:s13], $0x80  }
0x29: {  	s17 =	simm.s32 $0x200;
	[sflag:s13] =	ssyncset.done $0x0  }
.LBB2_2:
0x2a: {  	s18 =	sshra.s32 s17, $0x2;
	[sflag:s13] =	ssyncadd.s32 $0xFFFFFF80;
	p1 =	sne.s32 s17, $0x9E00  }
0x2b: {  	[spmem:s2] =	stream.indirect.scatter.add.f32 [tilespmem:s14], [sflag:$0x1], $0x1, s18, s15, $0xb8;
	[tilespmem:$0x2B00] =	vst v63  }
.Ltmp0:
0x2c: {  	_ = 	snop;
	(pc) =	sbr.rel @p1 .LBB2_2-.Ltmp0, $4  }
0x2d: {  	_ = 	snop  }
0x2e: {  	s17 =	sadd.s32 $0x200, s17  }
0x2f: {  	_ =	swait.ge [sflag:s13], $0x80  }
0x30: {  	[sflag:s13] =	ssyncset.done $0x0  }
0x31: {  	s16 =	sadd.s32 $0x1, s16  }
0x32: {  	[sflag:s13] =	ssyncadd.s32 $0xFFFFFF80;
	p1 =	sne.s32 s16, s11  }
.Ltmp1:
0x33: {  	[bflag:$0x0] =	sbarrier.arrive $0xFFFF;
	(pc) =	sbr.rel @p1 .LBB2_1-.Ltmp1, $4  }
0x34: {  	[hbm:s10], [sflag:s6] =	dma.local [spmem:s12], $0x50  }
0x35: {  	_ =	swait.ge [sflag:s13], $0x50  }
0x36: {  	[sflag:s13] =	ssyncset.done $0x0  }
0x37: {  	[sflag:s13] =	ssyncadd.s32 $0xFFFFFFB0  }
0x38: {  	_ =	sfence.sel $0x180000  }
0x39: {  	[bflag:$0x0] =	sbarrier.arrive $0xFFFF  }
0x3a: {  	p0 =	sne.s32 s1, $0x0;
	_ =	strace $0x90000047  }
0x3b: {  	s0 =	sadd.s32 @!p0 $0x100000, s0;
	[bflag:$0x2] =	sbarrier.arrive $0xFFFF  }
0x3c: {  	[sflag:s0] =	ssyncadd.tile.s32 @!p0 $0x1;
	_ =	shalt  }
.Lfunc_end2:
_tile_overlayer_lowered:
.L_overlay_start_2:
0x3d: {  	(tag) =	ssettag $0x2  }
0x3e: {  	s0 =	rddreg [dreg:$0x0];
	s2 =	stileid.u32  }
0x3f: {  	s1 =	rddreg [dreg:$0x1];
	p0 =	sne.s32 s2, $0x0  }
0x40: {  	s3 =	rddreg [dreg:$0x2];
	[bflag:$0x3] =	sbarrier.arrive $0xFFFF;
	s2 =	simm.s32 @!p0 $0x1C01  }
0x41: {  	[timem:s3], [sflag:s2] =	dma.local @!p0 [hbm:s0], s1  }
0x42: {  	s0 =	simm.s32 @!p0 $0x1  }
0x43: {  	_ =	swait.ge @!p0 [sflag:s0], s1  }
0x44: {  	s1 =	ssub.s32 @!p0 $0x0, s1;
	[sflag:s0] =	ssyncset.done @!p0 $0x0  }
0x45: {  	[sflag:s0] =	ssyncadd.s32 @!p0 s1  }
0x46: {  	[bflag:$0x3] =	sbarrier.arrive $0xFFFF  }
0x47: {  	_ =	shalt  }

// kernel: kernel.9.cloned.1.call-start
scs
__scs_entry_jumppad:
0x0: {  	(pc) =	sbr.rel $0x88, $3  }
0x1: {  	(tag) =	ssettag $0x0;
	lr =	simm.s32 $0x1  }
0x2: {  	[smem:$0x3F9B] =	sst lr;
	_ =	strace $0xD0000000  }
0x3: {  	_ = 	snop  }
0x4: {  	_ = 	snop  }
0x5: {  	_ = 	snop  }
0x6: {  	_ = 	snop  }
0x7: {  	_ = 	snop  }
__scs_overlays_trampoline_lowered:
0x8: {  	[smem:$0x3FAA] =	sst s0  }
0x9: {  	[smem:$0x3FAB] =	sst s1  }
0xa: {  	[smem:$0x3FAC] =	sst s2  }
0xb: {  	[smem:$0x3FAD] =	sst s3  }
0xc: {  	[smem:$0x3FAE] =	sst s4  }
0xd: {  	[smem:$0x3FAF] =	sst s5  }
0xe: {  	[smem:$0x3FB0] =	sst s6  }
0xf: {  	[smem:$0x3FB1] =	sst s7  }
0x10: {  	[smem:$0x3FB2] =	sst s8  }
0x11: {  	[smem:$0x3FB3] =	sst s9;
	s0 =	simm.s32 @!p0 $0x0  }
0x12: {  	s1 =	sld [smem:$0x3F99];
	s0 =	simm.s32 @p0 $0x1  }
0x13: {  	[smem:$0x3FB4] =	sst s0;
	s0 =	simm.s32 @!p1 $0x0  }
0x14: {  	s2 =	sld [smem:$0x3F98];
	s0 =	simm.s32 @p1 $0x1  }
0x15: {  	[smem:$0x3FB5] =	sst s0;
	s0 =	simm.s32 @!p2 $0x0  }
0x16: {  	s3 =	sld [smem:$0x3FDB];
	s0 =	simm.s32 @p2 $0x1  }
0x17: {  	s4 =	simm.s32 $0x1BF5;
	[smem:$0x3FB7] =	sst s0  }
0x18: {  	s0 =	sld [smem:$0x3F9A];
	_ =	swait.ge [sflag:s4], $0x0  }
0x19: {  	s7 =	sld [smem:$0x3F9B]  }
0x1a: {  	s8 =	sadd.s32 $0xFFFFE003, lr  }
0x1b: {  	s9 =	sadd.s32 $0xFFFFFEF7, lr;
	s5 =	simm.s32 $0xFFFFFFFF;
	p2 =	slt.u32 s8, $0xFFFFF086  }
0x1c: {  	p1 =	slt.u32 s9, $0xF7A;
	s5 =	simm.s32 @!p2 $0x0  }
0x1d: {  	s5 =	simm.s32 @p1 $0x1;
	p0 =	seq.s32 s7, s2  }
0x1e: {  	s7 =	smul.u32 @!p0 $0xF7A, s2;
	p2 =	seq.s32 @!p0 s5, $0x0  }
0x1f: {  	s9 =	smul.u32 $0xF7A, s1;
	s8 =	simm.s32 @!p0 $0x1BF5;
	p2 =	por !p2, p0  }
0x20: {  	[sflag:s8] =	ssyncset.s32 @!p0 $0xFFFFF086;
	s6 =	sadd.s32 @!p0 s3, s7;
	s7 =	simm.s32 @!p0 $0x108  }
0x21: {  	s3 =	sadd.s32 s3, s9;
	s6 =	sadd.s32 @!p0 $0x88, s6;
	s7 =	simm.s32 @p2 $0x1082  }
0x22: {  	[simem:s7], [sflag:s8] =	dma.local @!p0 [hbm:s6], $0xF7A  }
0x23: {  	s9 =	sor.u32 $0xD0000000, s2;
	s6 =	simm.s32 $0x108;
	_ =	swait.ge @!p0 [sflag:s8], $0x0  }
0x24: {  	s3 =	sadd.s32 $0x88, s3;
	s6 =	simm.s32 @!p1 $0x1082;
	[sflag:s4] =	ssyncset.s32 $0xFFFFF086  }
0x25: {  	[simem:s6], [sflag:s4] =	dma.local [hbm:s3], $0xF7A  }
0x26: {  	[smem:$0x3F9B] =	sst s1;
	(tag) =	ssettag s2;
	_ =	strace s9  }
0x27: {  	s1 =	sld [smem:$0x3FAB]  }
0x28: {  	s2 =	sld [smem:$0x3FAC]  }
0x29: {  	s4 =	sld [smem:$0x3FAE]  }
0x2a: {  	p0 =	seq.s32 s5, $0x0;
	s5 =	sld [smem:$0x3FAF]  }
0x2b: {  	s6 =	sld [smem:$0x3FB0]  }
0x2c: {  	s7 =	sld [smem:$0x3FB1]  }
0x2d: {  	s3 =	simm.s32 $0x108;
	s8 =	sld [smem:$0x3FB2]  }
0x2e: {  	s3 =	simm.s32 @!p0 $0x1082;
	s9 =	sld [smem:$0x3FB3]  }
0x2f: {  	lr =	sadd.s32 s0, s3;
	s0 =	sld [smem:$0x3FAA]  }
0x30: {  	s3 =	sld [smem:$0x3FAD]  }
0x31: {  	[smem:$0x3FB6] =	sst s10  }
0x32: {  	s10 =	sld [smem:$0x3FB4];
	_ =	sdelay $0x3  }
0x33: {  	p0 =	seq.s32 s10, $0x1;
	s10 =	sld [smem:$0x3FB6];
	_ =	sdelay $0x3  }
0x34: {  	[smem:$0x3FB6] =	sst s10  }
0x35: {  	s10 =	sld [smem:$0x3FB5];
	_ =	sdelay $0x3  }
0x36: {  	p1 =	seq.s32 s10, $0x1;
	s10 =	sld [smem:$0x3FB6];
	_ =	sdelay $0x3  }
0x37: {  	[smem:$0x3FB6] =	sst s10  }
0x38: {  	s10 =	sld [smem:$0x3FB7]  }
0x39: {  	_ = 	snop;
	(pc) =	sbr.ind lr, $3  }
0x3a: {  	_ = 	snop  }
0x3b: {  	_ = 	snop  }
0x3c: {  	p2 =	seq.s32 s10, $0x1;
	s10 =	sld [smem:$0x3FB6]  }
0x3d: {  	_ =	shalt  }
0x3e: {  	_ =	shalt  }
0x3f: {  	_ =	shalt  }
0x40: {  	_ =	shalt  }
0x41: {  	_ =	shalt  }
0x42: {  	_ =	shalt  }
0x43: {  	_ =	shalt  }
0x44: {  	_ =	shalt  }
0x45: {  	_ =	shalt  }
0x46: {  	_ =	shalt  }
0x47: {  	_ =	shalt  }
0x48: {  	_ =	shalt  }
0x49: {  	_ =	shalt  }
0x4a: {  	_ =	shalt  }
0x4b: {  	_ =	shalt  }
0x4c: {  	_ =	shalt  }
0x4d: {  	_ =	shalt  }
0x4e: {  	_ =	shalt  }
0x4f: {  	_ =	shalt  }
0x50: {  	_ =	shalt  }
0x51: {  	_ =	shalt  }
0x52: {  	_ =	shalt  }
0x53: {  	_ =	shalt  }
0x54: {  	_ =	shalt  }
0x55: {  	_ =	shalt  }
0x56: {  	_ =	shalt  }
0x57: {  	_ =	shalt  }
0x58: {  	_ =	shalt  }
0x59: {  	_ =	shalt  }
0x5a: {  	_ =	shalt  }
0x5b: {  	_ =	shalt  }
0x5c: {  	_ =	shalt  }
0x5d: {  	_ =	shalt  }
0x5e: {  	_ =	shalt  }
0x5f: {  	_ =	shalt  }
0x60: {  	_ =	shalt  }
0x61: {  	_ =	shalt  }
0x62: {  	_ =	shalt  }
0x63: {  	_ =	shalt  }
0x64: {  	_ =	shalt  }
0x65: {  	_ =	shalt  }
0x66: {  	_ =	shalt  }
0x67: {  	_ =	shalt  }
0x68: {  	_ =	shalt  }
0x69: {  	_ =	shalt  }
0x6a: {  	_ =	shalt  }
0x6b: {  	_ =	shalt  }
0x6c: {  	_ =	shalt  }
0x6d: {  	_ =	shalt  }
0x6e: {  	_ =	shalt  }
0x6f: {  	_ =	shalt  }
0x70: {  	_ =	shalt  }
0x71: {  	_ =	shalt  }
0x72: {  	_ =	shalt  }
0x73: {  	_ =	shalt  }
0x74: {  	_ =	shalt  }
0x75: {  	_ =	shalt  }
0x76: {  	_ =	shalt  }
0x77: {  	_ =	shalt  }
0x78: {  	_ =	shalt  }
0x79: {  	_ =	shalt  }
0x7a: {  	_ =	shalt  }
0x7b: {  	_ =	shalt  }
0x7c: {  	_ =	shalt  }
0x7d: {  	_ =	shalt  }
0x7e: {  	_ =	shalt  }
0x7f: {  	_ =	shalt  }
0x80: {  	_ =	shalt  }
0x81: {  	_ =	shalt  }
0x82: {  	_ =	shalt  }
0x83: {  	_ =	shalt  }
0x84: {  	_ =	shalt  }
0x85: {  	_ =	shalt  }
0x86: {  	_ =	shalt  }
0x87: {  	_ =	shalt  }
.Lfunc_end0:
.L_simem_size_0:
called_computation.1_lowered:
.L_overlay_start_0:
0x88: {  	s2 =	sld [smem:$0x3FD9]  }
0x89: {  	s3 =	sld [smem:$0x3FFE];
	_ =	sdelay $0x1  }
0x8a: {  	s1 =	srdreg.scid  }
0x8b: {  	s0 =	sand.u32 $0x1, s1  }
0x8c: {  	s17 =	sshll.u32 s0, $0xA;
	s2 =	sadd.s32 s3, s2  }
0x8d: {  	s2 =	sadd.s32 s2, s17  }
0x8e: {  	[smem:$0x3FC2] =	sst s2  }
0x8f: {  	_ = 	snop  }
0x90: {  	s2 =	sld [smem:$0x3FD0];
	(tm) =	ssettm $0x1  }
0x91: {  	s18 =	sld [smem:$0x3FFB];
	_ =	sdelay $0x3  }
0x92: {  	_ =	strace s18  }
0x93: {  	s3 =	sld [smem:$0x3FFC];
	_ =	sdelay $0x3  }
0x94: {  	_ =	strace s3  }
0x95: {  	s3 =	sld [smem:$0x3FFD];
	_ =	sdelay $0x3  }
0x96: {  	_ =	strace s3  }
0x97: {  	_ =	strace $0x8FFFFFFF  }
0x98: {  	s19 =	sld [smem:$0x3FDB];
	_ =	sdelay $0x1  }
0x99: {  	s4 =	simm.s32 $_scs_section_size  }
0x9a: {  	s5 =	simm.s32 $_size__tile_overlayer_lowered;
	s6 =	simm.s32 $_tile_overlayer_lowered  }
0x9b: {  	s22 =	simm.s32 $0x1BFF;
	s21 =	sshll.u32 s6, $0x1;
	s3 =	sadd.s32 s4, s19  }
0x9c: {  	s7 =	simm.s32 $0x0;
	s20 =	sshll.u32 s5, $0x1;
	s5 =	sadd.s32 s21, s3  }
0x9d: {  	[timem:s7], [sflag:s22] =	dma.local [hbm:s5], s20  }
0x9e: {  	_ =	swait.ge [sflag:s22], s20  }
0x9f: {  	s4 =	ssub.s32 $0x0, s20;
	[sflag:s22] =	ssyncset.done $0x0  }
0xa0: {  	[sflag:s22] =	ssyncadd.s32 s4;
	_ =	sdelay $0x1  }
0xa1: {  	s23 =	simm.s32 $0x1B8B  }
0xa2: {  	_ =	swait.ge [sflag:s23], $0x1  }
0xa3: {  	[sflag:s23] =	ssyncset.done $0x0  }
0xa4: {  	s25 =	simm.s32 $0x1B8E;
	s24 =	sld [smem:$0x3FFE];
	[sflag:s23] =	ssyncadd.s32 $0xFFFFFFFF  }
0xa5: {  	s26 =	simm.s32 $execute0_lowered;
	[smem:$0x3FD2] =	sst s25  }
0xa6: {  	s5 =	sshll.u32 s26, $0x1;
	_ =	strace $0x80000049;
	[dreg:$0x1] =	wrdreg $0xFFFFFFFF  }
0xa7: {  	s28 =	simm.s32 $_size_execute0_lowered;
	s3 =	sadd.s32 s3, s5;
	[dreg:$0x0] =	wrdreg $0x0  }
0xa8: {  	s5 =	sshll.u32 s28, $0x1;
	[dreg:$0x2] =	wrdreg s3  }
0xa9: {  	[dreg:$0x3] =	wrdreg s5  }
0xaa: {  	[dreg:$0x4] =	wrdreg $0xC0  }
0xab: {  	_ =	task [dreg:s7], $0x5FFFF  }
0xac: {  	[dreg:$0x1] =	wrdreg $0xFFFFFFFF  }
0xad: {  	[dreg:$0x0] =	wrdreg $0x60  }
0xae: {  	[dreg:$0x2] =	wrdreg s24  }
0xaf: {  	[dreg:$0x3] =	wrdreg s2  }
0xb0: {  	[dreg:$0x4] =	wrdreg $0x98000  }
0xb1: {  	[dreg:$0x5] =	wrdreg $0x9  }
0xb2: {  	_ =	task.clear_ibuf [dreg:s7], $0x6FFFF;
	_ =	strace $0x90000049  }
0xb3: {  	s29 =	simm.s32 $0x9;
	_ =	strace $0x8000004B  }
0xb4: {  	_ =	swait.ge [sflag:s29], $0x1  }
0xb5: {  	[sflag:s29] =	ssyncadd.s32 $0xFFFFFFFF  }
0xb6: {  	_ =	strace $0x9000004B  }
0xb7: {  	_ =	sfence  }
0xb8: {  	s30 =	sld [smem:$0x0];
	_ =	sdelay $0x2  }
0xb9: {  	s31 =	sshll.u32 s1, $0xD;
	s1 =	sshrl.u32 s1, $0x2  }
0xba: {  	s3 =	sand.u32 $0x4000, s31;
	s1 =	sadd.s32 s1, s30  }
0xbb: {  	s0 =	sor.u32 s3, s0;
	s1 =	sshll.u32 s1, $0x11  }
0xbc: {  	s0 =	sor.u32 s1, s0  }
0xbd: {  	s0 =	sadd.s32 $0x8F2B, s0  }
0xbe: {  	[sflag:s0] =	ssyncadd.remote.s32 $0x1  }
0xbf: {  	_ =	sfence.sel $0xFFFF  }
0xc0: {  	[dreg:$0x0] =	wrdreg $0xFFFFFFFF;
	(pc) =	sbr.abs _section_cstart, $3  }
0xc1: {  	[dreg:$0x1] =	wrdreg $0xFFFFFFFF  }
0xc2: {  	_ =	task.clear_ibuf [dreg:s7], $0x2FFFF;
	_ =	strace $0x9FFFFFFF  }
0xc3: {  	(tm) =	ssettm $0x7FFFFFFF  }
tec
execute0_lowered:
.L_overlay_start_1:
0x0: {  	(tag) =	ssettag $0x1  }
0x1: {  	s8 =	rddreg [dreg:$0x0]  }
0x2: {  	s1 =	rddreg [dreg:$0x1]  }
0x3: {  	s2 =	rddreg [dreg:$0x2];
	s3 =	srdreg.scid;
	s4 =	simm.s32 $0x0  }
0x4: {  	s0 =	stileid.u32;
	s17 =	simm.s32 $0x1000;
	s18 =	simm.s32 $0x80  }
0x5: {  	s19 =	simm.s32 $0x1800;
	s20 =	simm.s32 $0x5800;
	s21 =	simm.s32 $0x1  }
0x6: {  	s22 =	simm.s32 $0x2;
	s23 =	simm.s32 $0x1780;
	s24 =	simm.s32 $0x0  }
0x7: {  	s9 =	sand.u32 $0x1, s3;
	[smem:$0x7FF] =	sst s4;
	s11 =	smul.u32 $0x14000, s0  }
0x8: {  	s5 =	sadd.s32 $0x2400, s8;
	s6 =	sadd.s32 $0x1C00, s8;
	s12 =	smul.u32 $0x50000, s0  }
0x9: {  	s7 =	sadd.s32 $0x2A400, s8;
	s30 =	sshll.u32 s0, $0x6;
	s10 =	smul.u32 $0x140000, s9  }
0xa: {  	_ =	strace $0x8000004A;
	s28 =	sshll.u32 s9, $0x4;
	s9 =	ssub.s32 $0x2, s9  }
0xb: {  	s29 =	sshrl.u32 s9, $0x1;
	s10 =	sadd.s32 s11, s10;
	s11 =	sor.u32 s0, s28  }
0xc: {  	s12 =	sshrl.u32 s12, $0x2;
	s15 =	ssub.s32 s9, s29;
	s14 =	smul.u32 $0x2800, s11  }
.Ltmp0:
0xd: {  	s16 =	sadd.s32 s12, s2;
	s10 =	sshrl.u32 s10, $0x3;
	(pc) =	sbr.rel .LBB2_1-.Ltmp0, $4  }
0xe: {  	s9 =	sadd.s32 $0x9C80, s1;
	s13 =	sadd.s32 s10, s8;
	s8 =	smul.u32 $0x50, s11  }
0xf: {  	s11 =	smul.u32 $0x500, s11;
	s10 =	sor.u32 $0x1C03, s30;
	s31 =	sshrl.u32 s14, $0x3  }
0x10: {  	s13 =	sadd.s32 $0x2CC00, s13;
	s14 =	smax.u32 s15, $0x1;
	s15 =	sshrl.u32 s16, $0x3  }
0x11: {  	s16 =	simm.s32 $0x3;
	s11 =	sadd.s32 s1, s11;
	s12 =	sadd.s32 s31, s9  }
.LBB2_6:
0x12: {  	_ =	swait.ge [sflag:s22], $0x4000  }
0x13: {  	[sflag:s22] =	ssyncset.done $0x0  }
0x14: {  	[sflag:s22] =	ssyncadd.s32 $0xFFFFC000  }
0x15: {  	[spmem:s2] =	stream.indirect.scatter.add.f32 [tilespmem:s20], [sflag:$0x3], $0x80, s23, s18, $0xb8;
	[tilespmem:$0x1D800] =	vst v63  }
0x16: {  	_ =	swait.ge [sflag:s16], $0x4000  }
0x17: {  	s24 =	sadd.s32 $0x1, s24;
	[sflag:s16] =	ssyncset.done $0x0  }
0x18: {  	p0 =	sne.s32 s24, s14;
	[sflag:s16] =	ssyncadd.s32 $0xFFFFC000  }
.Ltmp1:
0x19: {  	[bflag:$0x0] =	sbarrier.arrive $0xFFFF;
	(pc) =	sbr.rel @!p0 .LBB2_7-.Ltmp1, $4  }
0x1a: {  	[hbm:s13], [sflag:s10] =	dma.local [spmem:s15], $0x2800  }
0x1b: {  	_ =	swait.ge [sflag:s16], $0x2800  }
0x1c: {  	[sflag:s16] =	ssyncset.done $0x0  }
0x1d: {  	[sflag:s16] =	ssyncadd.s32 $0xFFFFD800  }
.LBB2_1:
0x1e: {  	[spmem:s15], [sflag:s10] =	dma.local [hbm:s7], $0x2800  }
0x1f: {  	_ =	swait.ge [sflag:s16], $0x2800  }
0x20: {  	[sflag:s16] =	ssyncset.done $0x0  }
0x21: {  	[sflag:s16] =	ssyncadd.s32 $0xFFFFD800  }
0x22: {  	[tilespmem:s4], [sflag:$0x3] =	stream.linear.gather [hbm4b:s11+s4], $0x800, $0x38;
	[tilespmem:$0x1D800] =	vst v63  }
0x23: {  	_ =	swait.ge [sflag:s16], $0x800  }
0x24: {  	[sflag:s16] =	ssyncset.done $0x0  }
0x25: {  	[sflag:s16] =	ssyncadd.s32 $0xFFFFF800  }
0x26: {  	[tilespmem:s17], [sflag:$0x3] =	stream.linear.gather [hbm4b:s12+s4], $0x800, $0x38;
	[tilespmem:$0x1D800] =	vst v63  }
0x27: {  	_ =	swait.ge [sflag:s16], $0x800  }
0x28: {  	[sflag:s16] =	ssyncset.done $0x0  }
0x29: {  	[sflag:s16] =	ssyncadd.s32 $0xFFFFF800  }
0x2a: {  	[bflag:$0x0] =	sbarrier.arrive $0xFFFF  }
0x2b: {  	[tilespmem:s19], [sflag:$0x1] =	stream.indirect.gather [hbm4b:s5+s18], $0x80, s4, s18, $0xb8;
	[tilespmem:$0x1D800] =	vst v63  }
0x2c: {  	s25 =	simm.s32 $0x600;
	s26 =	simm.s32 $0x0;
	s28 =	simm.s32 $0x0  }
0x2d: {  	[tilespmem:s20], [sflag:$0x2] =	stream.indirect.gather [hbm4b:s5+s18], $0x80, s18, s18, $0xb8;
	[tilespmem:$0x1D800] =	vst v63  }
.LBB2_2:
0x2e: {  	s29 =	sand.u32 $0xE, s26  }
0x2f: {  	p0 =	sne.s32 s29, $0x0  }
0x30: {  	p2 =	seq.s32 @!p0 s26, $0x0  }
0x31: {  	s30 =	sshrl.u32 s28, $0x3;
	p1 =	por p2, p0  }
0x32: {  	s31 =	sshll.u32 @!p1 s30, $0x4  }
0x33: {  	s31 =	sadd.s32 @!p1 s8, s31  }
0x34: {  	p3 =	sgt.u32 @!p1 s31, $0x9BF  }
0x35: {  	p4 =	por @!p0 !p3, p2  }
0x36: {  	p5 =	por p4, p0  }
0x37: {  	p3 =	por @!p0 p3, p2;
	s0 =	sshll.u32 @!p5 s31, $0x7  }
0x38: {  	p3 =	por p3, p0;
	s0 =	sadd.s32 @!p5 $0xFFFB4000, s0  }
0x39: {  	s3 =	simm.s32 @!p1 $0x1000;
	s31 =	sshll.u32 @!p3 s31, $0x4;
	s0 =	sshrl.u32 @!p5 s0, $0x3  }
0x3a: {  	s31 =	sadd.s32 @!p3 s31, s9;
	p3 =	por !p4, p0;
	s0 =	sadd.s32 @!p5 s6, s0  }
0x3b: {  	s31 =	smov.u32 @p3 s0;
	s0 =	simm.s32 @!p1 $0x0;
	p3 =	sgt.u32 @!p1 s28, $0x1F  }
0x3c: {  	[tilespmem:s3], [sflag:$0x3] =	stream.linear.gather @!p1 [hbm4b:s31+s0], $0x800, $0x38;
	[tilespmem:$0x1D800] =	vst v63  }
0x3d: {  	p2 =	por @!p0 p2, !p3  }
0x3e: {  	p0 =	por p0, !p2  }
.Ltmp2:
0x3f: {  	_ = 	snop;
	(pc) =	sbr.rel @p0 .LBB2_4-.Ltmp2, $4  }
0x40: {  	s0 =	simm.s32 @!p1 $0x3  }
0x41: {  	_ =	swait.ge @!p1 [sflag:s0], $0x800  }
0x42: {  	[sflag:s0] =	ssyncset.done @!p1 $0x0  }
0x43: {  	[sflag:s0] =	ssyncadd.s32 @!p1 $0xFFFFF800  }
0x44: {  	s0 =	sadd.s32 $0x1, s30  }
0x45: {  	s3 =	sshll.u32 s0, $0x4  }
0x46: {  	s3 =	sadd.s32 s8, s3  }
0x47: {  	p0 =	sgt.u32 s3, $0x9BF  }
0x48: {  	s30 =	sshll.u32 @p0 s3, $0x7  }
0x49: {  	s30 =	sadd.s32 @p0 $0xFFFB2000, s30  }
0x4a: {  	s3 =	sshll.u32 @!p0 s3, $0x4;
	s30 =	sshrl.u32 @p0 s30, $0x3  }
0x4b: {  	s0 =	sshll.u32 s0, $0xB;
	s3 =	sadd.s32 @!p0 s1, s3;
	s30 =	sadd.s32 @p0 s6, s30  }
0x4c: {  	s0 =	sand.u32 $0x800, s0;
	s3 =	smov.u32 @p0 s30  }
0x4d: {  	[tilespmem:s0], [sflag:$0x3] =	stream.linear.gather [hbm4b:s3+s4], $0x800, $0x38;
	[tilespmem:$0x1D800] =	vst v63  }
0x4e: {  	_ =	swait.ge [sflag:s16], $0x800  }
0x4f: {  	[sflag:s16] =	ssyncset.done $0x0  }
0x50: {  	[sflag:s16] =	ssyncadd.s32 $0xFFFFF800  }
.LBB2_4:
0x51: {  	_ =	swait.ge [sflag:s21], $0x4000  }
0x52: {  	s0 =	sshll.u32 s29, $0x7;
	p0 =	seq.s32 s28, $0x27;
	[sflag:s21] =	ssyncset.done $0x0  }
.Ltmp3:
0x53: {  	s0 =	sor.u32 $0x1000, s0;
	[sflag:s21] =	ssyncadd.s32 $0xFFFFC000;
	(pc) =	sbr.rel @p0 .LBB2_6-.Ltmp3, $4  }
0x54: {  	[spmem:s2] =	stream.indirect.scatter.add.f32 [tilespmem:s19], [sflag:$0x3], $0x80, s0, s18, $0xb8;
	[tilespmem:$0x1D800] =	vst v63  }
0x55: {  	_ =	swait.ge [sflag:s16], $0x4000  }
0x56: {  	[sflag:s16] =	ssyncset.done $0x0  }
0x57: {  	[sflag:s16] =	ssyncadd.s32 $0xFFFFC000  }
0x58: {  	s0 =	sadd.s32 $0xFFFFFE00, s25  }
0x59: {  	s0 =	sand.u32 $0x3C00, s0  }
0x5a: {  	s3 =	sadd.s32 $0xFFFFFA00, s25;
	s0 =	sshrl.u32 s0, $0x2  }
0x5b: {  	[tilespmem:s19], [sflag:$0x1] =	stream.indirect.gather [hbm4b:s5+s18], $0x80, s0, s18, $0xb8;
	[tilespmem:$0x1D800] =	vst v63  }
0x5c: {  	s30 =	sand.u32 $0x1C00, s3;
	_ =	swait.ge [sflag:s22], $0x4000  }
0x5d: {  	s0 =	sshrl.u32 s30, $0x2;
	[sflag:s22] =	ssyncset.done $0x0  }
0x5e: {  	s0 =	sor.u32 $0x1080, s0;
	[sflag:s22] =	ssyncadd.s32 $0xFFFFC000  }
0x5f: {  	[spmem:s2] =	stream.indirect.scatter.add.f32 [tilespmem:s20], [sflag:$0x3], $0x80, s0, s18, $0xb8;
	[tilespmem:$0x1D800] =	vst v63  }
.Ltmp4:
0x60: {  	_ = 	snop;
	(pc) =	sbr.rel .LBB2_2-.Ltmp4, $4  }
0x61: {  	s31 =	sand.u32 $0x3E00, s25;
	_ =	swait.ge [sflag:s16], $0x4000  }
0x62: {  	s28 =	sadd.s32 $0x1, s28;
	s25 =	sadd.s32 $0x400, s25;
	[sflag:s16] =	ssyncset.done $0x0  }
0x63: {  	s26 =	sadd.s32 $0x2, s26;
	s0 =	sshrl.u32 s31, $0x2;
	[sflag:s16] =	ssyncadd.s32 $0xFFFFC000  }
0x64: {  	[tilespmem:s20], [sflag:$0x2] =	stream.indirect.gather [hbm4b:s5+s18], $0x80, s0, s18, $0xb8;
	[tilespmem:$0x1D800] =	vst v63  }
.LBB2_7:
0x65: {  	_ =	sfence.sel $0x180000  }
0x66: {  	[bflag:$0x0] =	sbarrier.arrive $0xFFFF  }
0x67: {  	_ =	strace $0x9000004A  }
0x68: {  	s0 =	stileid.u32;
	[bflag:$0x2] =	sbarrier.arrive $0xFFFF  }
0x69: {  	p0 =	sne.s32 s0, $0x0;
	s0 =	rddreg [dreg:$0x3]  }
0x6a: {  	s0 =	sadd.s32 @!p0 $0x100000, s0  }
0x6b: {  	[sflag:s0] =	ssyncadd.tile.s32 @!p0 $0x1;
	_ =	shalt  }
.Lfunc_end2:
_tile_overlayer_lowered:
.L_overlay_start_2:
0x6c: {  	(tag) =	ssettag $0x2  }
0x6d: {  	s0 =	rddreg [dreg:$0x0];
	s2 =	stileid.u32  }
0x6e: {  	s1 =	rddreg [dreg:$0x1];
	p0 =	sne.s32 s2, $0x0  }
0x6f: {  	s3 =	rddreg [dreg:$0x2];
	[bflag:$0x3] =	sbarrier.arrive $0xFFFF;
	s2 =	simm.s32 @!p0 $0x1C03  }
0x70: {  	[timem:s3], [sflag:s2] =	dma.local @!p0 [hbm:s0], s1  }
0x71: {  	s0 =	simm.s32 @!p0 $0x3  }
0x72: {  	_ =	swait.ge @!p0 [sflag:s0], s1  }
0x73: {  	s1 =	ssub.s32 @!p0 $0x0, s1;
	[sflag:s0] =	ssyncset.done @!p0 $0x0  }
0x74: {  	[sflag:s0] =	ssyncadd.s32 @!p0 s1  }
0x75: {  	[bflag:$0x3] =	sbarrier.arrive $0xFFFF  }
0x76: {  	_ =	shalt  }

</sc_bundles>
